<compile_context>
chip_gen: v7x
topology: tpu7x:2x2x1
jax: 0.10.2.dev20260603
libtpu: 0.0.44.dev20260713+nightly
codegen_flags: <defaults>
</compile_context>

<pallas_src>
import functools

import jax
import jax.numpy as jnp
from jax import lax
from jax.experimental import pallas as pl
from jax.experimental.pallas import tpu as pltpu
from jax.experimental.pallas import tpu_sc as plsc

N_NODES = 10000
N_EDGES = 320000
D_IN = 128
D_HID = 256

NC = 2
NS = 16
NW = NC * NS

NPAD = 10240
GB = 256
NBLK = N_EDGES // GB
ROWS_PER_TILE = NPAD // NS

_mesh = plsc.VectorSubcoreMesh(core_axis_name="c", subcore_axis_name="s")


def _zero_acc_slice(z2d_hbm, acc, s):
  row0 = s * ROWS_PER_TILE
  pltpu.sync_copy(z2d_hbm.at[pl.ds(row0, ROWS_PER_TILE), :],
                  acc.at[pl.ds(row0, ROWS_PER_TILE), :])


W = 128


def _agg_loop(eidx_hbm, tbl_hbm, acc, eidx_v, rows_v, gsem, ssem,
              blk0, blk_end, deg_v=None):
  ones16 = jnp.ones((16,), jnp.float32)

  def block(b, carry):
    pltpu.sync_copy(eidx_hbm.at[b], eidx_v)
    g0 = pltpu.async_copy(tbl_hbm.at[eidx_v.at[0]], rows_v.at[0], gsem.at[0])
    g1 = pltpu.async_copy(tbl_hbm.at[eidx_v.at[1]], rows_v.at[1], gsem.at[1])
    g0.wait()
    s0 = pltpu.async_copy(rows_v.at[0], acc.at[eidx_v.at[2]], ssem.at[0],
                          add=True)
    g1.wait()
    s1 = pltpu.async_copy(rows_v.at[1], acc.at[eidx_v.at[3]], ssem.at[1],
                          add=True)
    if deg_v is not None:
      for r in (2, 3):
        for j in range(W // 16):
          dvec = eidx_v[r, pl.ds(j * 16, 16)]
          plsc.addupdate_scatter(deg_v, [dvec], ones16)
    s0.wait()
    s1.wait()
    return carry

  lax.fori_loop(blk0, blk_end, block, 0)


def _sc_agg1_body(eidx_hbm, x_hbm, z2d_hbm, z1d_hbm, sums_hbm, degs_hbm,
                  eidx_v, rows_v, deg_v, acc, gsem, ssem):
  c = lax.axis_index("c")
  s = lax.axis_index("s")

  pltpu.sync_copy(z1d_hbm, deg_v)
  _zero_acc_slice(z2d_hbm, acc, s)
  plsc.subcore_barrier()

  w = c * NS + s
  _agg_loop(eidx_hbm, x_hbm, acc, eidx_v, rows_v, gsem, ssem,
            w * NBLK // NW, (w + 1) * NBLK // NW, deg_v=deg_v)

  plsc.subcore_barrier()
  row0 = s * ROWS_PER_TILE
  pltpu.sync_copy(acc.at[pl.ds(row0, ROWS_PER_TILE), :],
                  sums_hbm.at[c, pl.ds(row0, ROWS_PER_TILE), :])
  pltpu.sync_copy(deg_v, degs_hbm.at[c * NS + s])


_sc_agg1 = functools.partial(
    pl.kernel,
    out_type=(
        jax.ShapeDtypeStruct((NC, NPAD, D_IN), jnp.float32),
        jax.ShapeDtypeStruct((NW, NPAD), jnp.float32),
    ),
    mesh=_mesh,
    compiler_params=pltpu.CompilerParams(needs_layout_passes=False),
    scratch_types=[
        pltpu.VMEM((4, W), jnp.int32),
        pltpu.VMEM((2, W, D_IN), jnp.float32),
        pltpu.VMEM((NPAD,), jnp.float32),
        pltpu.VMEM_SHARED((NPAD, D_IN), jnp.float32),
        pltpu.SemaphoreType.DMA((2,)),
        pltpu.SemaphoreType.DMA((2,)),
    ],
)(_sc_agg1_body)


def _sc_agg2_body(eidx_hbm, hlo_hbm, hhi_hbm, z2d_hbm, sums_hbm,
                  eidx_v, rows_v, acc, gsem, ssem):
  c = lax.axis_index("c")
  s = lax.axis_index("s")

  _zero_acc_slice(z2d_hbm, acc, s)
  plsc.subcore_barrier()

  blk0 = s * NBLK // NS
  blk_end = (s + 1) * NBLK // NS

  @pl.when(c == 0)
  def _():
    _agg_loop(eidx_hbm, hlo_hbm, acc, eidx_v, rows_v, gsem, ssem,
              blk0, blk_end)

  @pl.when(c == 1)
  def _():
    _agg_loop(eidx_hbm, hhi_hbm, acc, eidx_v, rows_v, gsem, ssem,
              blk0, blk_end)

  plsc.subcore_barrier()
  row0 = s * ROWS_PER_TILE
  pltpu.sync_copy(acc.at[pl.ds(row0, ROWS_PER_TILE), :],
                  sums_hbm.at[c, pl.ds(row0, ROWS_PER_TILE), :])


_sc_agg2 = functools.partial(
    pl.kernel,
    out_type=jax.ShapeDtypeStruct((NC, NPAD, D_IN), jnp.float32),
    mesh=_mesh,
    scratch_types=[
        pltpu.VMEM((4, W), jnp.int32),
        pltpu.VMEM((2, W, D_IN), jnp.float32),
        pltpu.VMEM_SHARED((NPAD, D_IN), jnp.float32),
        pltpu.SemaphoreType.DMA((2,)),
        pltpu.SemaphoreType.DMA((2,)),
    ],
)(_sc_agg2_body)


BLK = 1000


def _tcdeg_body(degp_ref, inv_ref):
  deg = jnp.sum(degp_ref[...], axis=0)
  inv_ref[...] = (1.0 / jnp.maximum(deg, 1.0))[:, None]


def _tcdeg(degp):
  return pl.pallas_call(
      _tcdeg_body,
      out_shape=jax.ShapeDtypeStruct((NPAD, 1), jnp.float32),
  )(degp)


def _tc1_body(x_ref, sa_ref, sb_ref, inv_ref, w1rel_ref, b1_ref, w1root_ref,
              lo_ref, hi_ref):
  mean = (sa_ref[...][0] + sb_ref[...][0]) * inv_ref[...]
  h = jnp.dot(mean, w1rel_ref[...], preferred_element_type=jnp.float32)
  h = h + jnp.dot(x_ref[...], w1root_ref[...], preferred_element_type=jnp.float32)
  h = h + b1_ref[...]
  h = jnp.maximum(h, 0.0)
  lo_ref[...] = h[:, :D_IN]
  hi_ref[...] = h[:, D_IN:]


def _tc2_body(mlo_ref, mhi_ref, inv_ref, hlo_ref, hhi_ref,
              w2rel_ref, b2_ref, w2root_ref, out_ref):
  mean = jnp.concatenate([mlo_ref[...][0], mhi_ref[...][0]], axis=1) * inv_ref[...]
  h = jnp.concatenate([hlo_ref[...], hhi_ref[...]], axis=1)
  out = jnp.dot(mean, w2rel_ref[...], preferred_element_type=jnp.float32)
  out = out + jnp.dot(h, w2root_ref[...], preferred_element_type=jnp.float32)
  out_ref[...] = out + b2_ref[...]


def _tc1(x, sums1, inv, W1_rel, b1, W1_root):
  grid = (N_NODES // BLK,)
  return pl.pallas_call(
      _tc1_body,
      grid=grid,
      in_specs=[
          pl.BlockSpec((BLK, D_IN), lambda i: (i, 0)),
          pl.BlockSpec((1, BLK, D_IN), lambda i: (0, i, 0)),
          pl.BlockSpec((1, BLK, D_IN), lambda i: (1, i, 0)),
          pl.BlockSpec((BLK, 1), lambda i: (i, 0)),
          pl.BlockSpec((D_IN, D_HID), lambda i: (0, 0)),
          pl.BlockSpec((1, D_HID), lambda i: (0, 0)),
          pl.BlockSpec((D_IN, D_HID), lambda i: (0, 0)),
      ],
      out_specs=[
          pl.BlockSpec((BLK, D_IN), lambda i: (i, 0)),
          pl.BlockSpec((BLK, D_IN), lambda i: (i, 0)),
      ],
      out_shape=[
          jax.ShapeDtypeStruct((N_NODES, D_IN), jnp.float32),
          jax.ShapeDtypeStruct((N_NODES, D_IN), jnp.float32),
      ],
  )(x, sums1, sums1, inv, W1_rel, b1.reshape(1, D_HID), W1_root)


def _tc2(sums2, inv, h_lo, h_hi, W2_rel, b2, W2_root):
  grid = (N_NODES // BLK,)
  return pl.pallas_call(
      _tc2_body,
      grid=grid,
      in_specs=[
          pl.BlockSpec((1, BLK, D_IN), lambda i: (0, i, 0)),
          pl.BlockSpec((1, BLK, D_IN), lambda i: (1, i, 0)),
          pl.BlockSpec((BLK, 1), lambda i: (i, 0)),
          pl.BlockSpec((BLK, D_IN), lambda i: (i, 0)),
          pl.BlockSpec((BLK, D_IN), lambda i: (i, 0)),
          pl.BlockSpec((D_HID, D_HID), lambda i: (0, 0)),
          pl.BlockSpec((1, D_HID), lambda i: (0, 0)),
          pl.BlockSpec((D_HID, D_HID), lambda i: (0, 0)),
      ],
      out_specs=pl.BlockSpec((BLK, D_HID), lambda i: (i, 0)),
      out_shape=jax.ShapeDtypeStruct((N_NODES, D_HID), jnp.float32),
  )(sums2, sums2, inv, h_lo, h_hi, W2_rel, b2.reshape(1, D_HID), W2_root)


def kernel(x, edge_index, W1_rel, b1, W1_root, W2_rel, b2, W2_root):
  src = edge_index[0].astype(jnp.int32)
  dst = edge_index[1].astype(jnp.int32)
  srcb = src.reshape(NBLK, 2, W)
  dstb = dst.reshape(NBLK, 2, W)
  eidx = jnp.concatenate([srcb, dstb], axis=1)

  z2d = jnp.zeros((NPAD, D_IN), jnp.float32)
  z1d = jnp.zeros((NPAD,), jnp.float32)
  sums1, degp = _sc_agg1(eidx, x, z2d, z1d)
  inv = _tcdeg(degp)
  h_lo, h_hi = _tc1(x, sums1, inv, W1_rel, b1, W1_root)
  sums2 = _sc_agg2(eidx, h_lo, h_hi, z2d)
  return _tc2(sums2, inv, h_lo, h_hi, W2_rel, b2, W2_root)

# --- scband reference (transcript-rebuilt; emitter-appended) ---
"""Pipeline reference for scband-sage-55559696941657 (READ-ONLY COPY).

The authoritative reference and input builder live on the scoring server;
editing this copy changes nothing except your own understanding.
"""

import jax, jax.numpy as jnp
import numpy as np

N_NODES = 10000
N_EDGES = 320000
D_IN = 128
D_HID = 256


def setup_inputs(seed: int = 0) -> dict:
    key = jax.random.key(seed)
    ks = jax.random.split(key, 8)
    x = jax.random.normal(ks[0], (N_NODES, D_IN), dtype=jnp.float32)
    edge_index = jax.random.randint(ks[1], (2, N_EDGES), 0, N_NODES, dtype=jnp.int64)
    s1 = 1.0 / np.sqrt(D_IN)
    s2 = 1.0 / np.sqrt(D_HID)
    W1_rel = jax.random.uniform(ks[2], (D_IN, D_HID), jnp.float32, -s1, s1)
    b1 = jax.random.uniform(ks[3], (D_HID,), jnp.float32, -s1, s1)
    W1_root = jax.random.uniform(ks[4], (D_IN, D_HID), jnp.float32, -s1, s1)
    W2_rel = jax.random.uniform(ks[5], (D_HID, D_HID), jnp.float32, -s2, s2)
    b2 = jax.random.uniform(ks[6], (D_HID,), jnp.float32, -s2, s2)
    W2_root = jax.random.uniform(ks[7], (D_HID, D_HID), jnp.float32, -s2, s2)
    return {"x": x, "edge_index": edge_index, "W1_rel": W1_rel, "b1": b1,
            "W1_root": W1_root, "W2_rel": W2_rel, "b2": b2, "W2_root": W2_root}


def _graph_conv_mean(h, src, dst, n_nodes, W_rel, b, W_root):
    # PyG GraphConv(aggr='mean'): out = lin_rel(mean_{j in N(i)} x_j) + lin_root(x_i)
    msg = jnp.take(h, src, axis=0)                                  # gather [E, d]
    summed = jax.ops.segment_sum(msg, dst, num_segments=n_nodes)    # scatter-add
    ones = jnp.ones((src.shape[0], 1), dtype=h.dtype)
    deg = jax.ops.segment_sum(ones, dst, num_segments=n_nodes)
    mean = summed / jnp.maximum(deg, 1.0)
    return mean @ W_rel + b + h @ W_root


def reference(x, edge_index, W1_rel, b1, W1_root, W2_rel, b2, W2_root):
    # SAGE.full_forward with num_layers=2, eval mode (dropout inactive)
    src = edge_index[0]
    dst = edge_index[1]
    n = x.shape[0]
    h = _graph_conv_mean(x, src, dst, n, W1_rel, b1, W1_root)
    h = jax.nn.relu(h)
    h = _graph_conv_mean(h, src, dst, n, W2_rel, b2, W2_root)
    return h

if __name__ == "__main__":
    import jax
    _d = setup_inputs()
    print(jax.jit(kernel)(*tuple(_d.values())))

</pallas_src>

<mosaic_0001>
#map = affine_map<(d0, d1) -> (0, 0, 0)>
#map1 = affine_map<(d0, d1) -> (0, 0)>
module attributes {stable_mosaic.version = 14 : i64} {
  func.func @_sc_agg2_body(%arg0: i32, %arg1: i32, %arg2: memref<1250x4x128xi32, #tpu.memory_space<hbm>>, %arg3: memref<10000x128xf32, #tpu.memory_space<hbm>>, %arg4: memref<10000x128xf32, #tpu.memory_space<hbm>>, %arg5: memref<10240x128xf32, #tpu.memory_space<hbm>>, %arg6: memref<2x10240x128xf32, #tpu.memory_space<hbm>>, %arg7: memref<4x128xi32, #tpu.memory_space<vmem>>, %arg8: memref<2x128x128xf32, #tpu.memory_space<vmem>>, %arg9: memref<10240x128xf32, #tpu.memory_space<vmem_shared>>, %arg10: memref<2x!tpu.dma_semaphore, #tpu.memory_space<semaphore_mem>>, %arg11: memref<2x!tpu.dma_semaphore, #tpu.memory_space<semaphore_mem>>) attributes {dimension_semantics = [#tpu.dimension_semantics<core_parallel>, #tpu.dimension_semantics<subcore_parallel>], iteration_bounds = array<i64: 2, 16>, scalar_prefetch = 0 : i64, scratch_operands = 5 : i64, tpu.core_type = #tpu.core_type<sc_vector_subcore>, window_params = [{transform_indices = #map}, {transform_indices = #map1}, {transform_indices = #map1}, {transform_indices = #map1}, {transform_indices = #map}]} {
    %mul3A = arith.constant 640 : i32
    %mul3A_0 = arith.muli %arg1, %mul3A : i32
    "tpu.region"() ({
      %run_scoped3A = tpu.sem_alloc : memref<!tpu.dma_semaphore, #tpu.memory_space<semaphore_mem>>
      %dma_start3A = arith.constant 0 : i32
      %dma_start3A_56 = tpu.memref_slice %arg9[%mul3A_0, %dma_start3A] : memref<10240x128xf32, #tpu.memory_space<vmem_shared>> -> memref<640x128xf32, #tpu.memory_space<vmem_shared>>
      %dma_start3A_57 = arith.constant 0 : i32
      %dma_start3A_58 = tpu.memref_slice %arg5[%mul3A_0, %dma_start3A_57] : memref<10240x128xf32, #tpu.memory_space<hbm>> -> memref<640x128xf32, #tpu.memory_space<hbm>>
      tpu.enqueue_dma source(%dma_start3A_58 : memref<640x128xf32, #tpu.memory_space<hbm>>) target(%dma_start3A_56 : memref<640x128xf32, #tpu.memory_space<vmem_shared>>) target_semaphore(%run_scoped3A : memref<!tpu.dma_semaphore, #tpu.memory_space<semaphore_mem>>)
      %dma_wait3A = arith.constant 0 : i32
      %dma_wait3A_59 = tpu.memref_slice %arg9[%mul3A_0, %dma_wait3A] : memref<10240x128xf32, #tpu.memory_space<vmem_shared>> -> memref<640x128xf32, #tpu.memory_space<vmem_shared>>
      %dma_wait3A_60 = arith.constant 0 : i32
      %dma_wait3A_61 = tpu.memref_slice %arg5[%mul3A_0, %dma_wait3A_60] : memref<10240x128xf32, #tpu.memory_space<hbm>> -> memref<640x128xf32, #tpu.memory_space<hbm>>
      tpu.wait_dma2 semaphore(%run_scoped3A : memref<!tpu.dma_semaphore, #tpu.memory_space<semaphore_mem>>) src(%dma_wait3A_61 : memref<640x128xf32, #tpu.memory_space<hbm>>) dst(%dma_wait3A_59 : memref<640x128xf32, #tpu.memory_space<vmem_shared>>)
      tpu.yield
    }) : () -> ()
    %barrier3A = arith.constant 0 : index
    tpu.barrier barrier_id(%barrier3A)
    %mul3A_1 = arith.constant 1250 : i32
    %mul3A_2 = arith.muli %arg1, %mul3A_1 : i32
    %jit3A = arith.constant 16 : i32
    %div3A = arith.divsi %mul3A_2, %jit3A : i32
    %sign3A = arith.constant 0 : i32
    %sign3A_3 = arith.cmpi sgt, %mul3A_2, %sign3A : i32
    %sign3A_4 = arith.extui %sign3A_3 : i1 to i32
    %sign3A_5 = arith.constant 0 : i32
    %sign3A_6 = arith.cmpi slt, %mul3A_2, %sign3A_5 : i32
    %sign3A_7 = arith.extui %sign3A_6 : i1 to i32
    %sign3A_8 = arith.subi %sign3A_4, %sign3A_7 : i32
    %sign3A_9 = arith.constant 0 : i32
    %sign3A_10 = arith.cmpi sgt, %jit3A, %sign3A_9 : i32
    %sign3A_11 = arith.extui %sign3A_10 : i1 to i32
    %sign3A_12 = arith.constant 0 : i32
    %sign3A_13 = arith.cmpi slt, %jit3A, %sign3A_12 : i32
    %sign3A_14 = arith.extui %sign3A_13 : i1 to i32
    %sign3A_15 = arith.subi %sign3A_11, %sign3A_14 : i32
    %ne3A = arith.cmpi ne, %sign3A_8, %sign3A_15 : i32
    %rem3A = arith.remsi %mul3A_2, %jit3A : i32
    %ne3A_16 = arith.constant 0 : i32
    %ne3A_17 = arith.cmpi ne, %rem3A, %ne3A_16 : i32
    %and3A = arith.andi %ne3A, %ne3A_17 : i1
    %sub3A = arith.constant 1 : i32
    %sub3A_18 = arith.subi %div3A, %sub3A : i32
    %select_n3A = arith.select %and3A, %sub3A_18, %div3A : i32
    %add3A = arith.constant 1 : i32
    %add3A_19 = arith.addi %arg1, %add3A : i32
    %mul3A_20 = arith.constant 1250 : i32
    %mul3A_21 = arith.muli %add3A_19, %mul3A_20 : i32
    %jit3A_22 = arith.constant 16 : i32
    %div3A_23 = arith.divsi %mul3A_21, %jit3A_22 : i32
    %sign3A_24 = arith.constant 0 : i32
    %sign3A_25 = arith.cmpi sgt, %mul3A_21, %sign3A_24 : i32
    %sign3A_26 = arith.extui %sign3A_25 : i1 to i32
    %sign3A_27 = arith.constant 0 : i32
    %sign3A_28 = arith.cmpi slt, %mul3A_21, %sign3A_27 : i32
    %sign3A_29 = arith.extui %sign3A_28 : i1 to i32
    %sign3A_30 = arith.subi %sign3A_26, %sign3A_29 : i32
    %sign3A_31 = arith.constant 0 : i32
    %sign3A_32 = arith.cmpi sgt, %jit3A_22, %sign3A_31 : i32
    %sign3A_33 = arith.extui %sign3A_32 : i1 to i32
    %sign3A_34 = arith.constant 0 : i32
    %sign3A_35 = arith.cmpi slt, %jit3A_22, %sign3A_34 : i32
    %sign3A_36 = arith.extui %sign3A_35 : i1 to i32
    %sign3A_37 = arith.subi %sign3A_33, %sign3A_36 : i32
    %ne3A_38 = arith.cmpi ne, %sign3A_30, %sign3A_37 : i32
    %rem3A_39 = arith.remsi %mul3A_21, %jit3A_22 : i32
    %ne3A_40 = arith.constant 0 : i32
    %ne3A_41 = arith.cmpi ne, %rem3A_39, %ne3A_40 : i32
    %and3A_42 = arith.andi %ne3A_38, %ne3A_41 : i1
    %sub3A_43 = arith.constant 1 : i32
    %sub3A_44 = arith.subi %div3A_23, %sub3A_43 : i32
    %select_n3A_45 = arith.select %and3A_42, %sub3A_44, %div3A_23 : i32
    %eq3A = arith.constant 0 : i32
    %eq3A_46 = arith.cmpi eq, %arg0, %eq3A : i32
    %convert_element_type3A = arith.extui %eq3A_46 : i1 to i32
    %cond3A = arith.constant 0 : i32
    %cond3A_47 = arith.cmpi ne, %convert_element_type3A, %cond3A : i32
    scf.if %cond3A_47 {
      %broadcast_in_dim3A = arith.constant 1.000000e+00 : f32
      %broadcast_in_dim3A_56 = vector.broadcast %broadcast_in_dim3A : f32 to vector<16xf32>
      %while3A = arith.constant 0 : i32
      %while3A_57 = arith.subi %select_n3A_45, %select_n3A : i32
      %while3A_58 = arith.addi %select_n3A, %while3A_57 : i32
      %while3A_59 = arith.constant 1 : i32
      %while3A_60 = arith.divsi %while3A_57, %while3A_59 : i32
      %while3A_61 = arith.muli %while3A_60, %while3A_59 : i32
      %while3A_62 = arith.addi %select_n3A, %while3A_61 : i32
      %while3A_63 = arith.constant 1 : i32
      scf.for %while3A_65 = %select_n3A to %while3A_62 step %while3A_63  : i32 {
        "tpu.region"() ({
          %run_scoped3A = tpu.sem_alloc : memref<!tpu.dma_semaphore, #tpu.memory_space<semaphore_mem>>
          %dma_start3A_184 = arith.constant 0 : i32
          %dma_start3A_185 = arith.constant 0 : i32
          %dma_start3A_186 = tpu.memref_slice %arg2[%while3A_65, %dma_start3A_184, %dma_start3A_185] : memref<1250x4x128xi32, #tpu.memory_space<hbm>> -> memref<1x4x128xi32, #tpu.memory_space<hbm>>
          %dma_start3A_187 = tpu.memref_squeeze %dma_start3A_186 : memref<1x4x128xi32, #tpu.memory_space<hbm>> -> memref<4x128xi32, #tpu.memory_space<hbm>>
          %dma_start3A_188 = arith.constant 0 : i32
          %dma_start3A_189 = arith.constant 0 : i32
          %dma_start3A_190 = tpu.memref_slice %arg2[%while3A_65, %dma_start3A_188, %dma_start3A_189] : memref<1250x4x128xi32, #tpu.memory_space<hbm>> -> memref<1x4x128xi32, #tpu.memory_space<hbm>>
          %dma_start3A_191 = tpu.memref_squeeze %dma_start3A_190 : memref<1x4x128xi32, #tpu.memory_space<hbm>> -> memref<4x128xi32, #tpu.memory_space<hbm>>
          tpu.enqueue_dma source(%dma_start3A_191 : memref<4x128xi32, #tpu.memory_space<hbm>>) target(%arg7 : memref<4x128xi32, #tpu.memory_space<vmem>>) target_semaphore(%run_scoped3A : memref<!tpu.dma_semaphore, #tpu.memory_space<semaphore_mem>>)
          %dma_wait3A_192 = arith.constant 0 : i32
          %dma_wait3A_193 = arith.constant 0 : i32
          %dma_wait3A_194 = tpu.memref_slice %arg2[%while3A_65, %dma_wait3A_192, %dma_wait3A_193] : memref<1250x4x128xi32, #tpu.memory_space<hbm>> -> memref<1x4x128xi32, #tpu.memory_space<hbm>>
          %dma_wait3A_195 = tpu.memref_squeeze %dma_wait3A_194 : memref<1x4x128xi32, #tpu.memory_space<hbm>> -> memref<4x128xi32, #tpu.memory_space<hbm>>
          %dma_wait3A_196 = arith.constant 0 : i32
          %dma_wait3A_197 = arith.constant 0 : i32
          %dma_wait3A_198 = tpu.memref_slice %arg2[%while3A_65, %dma_wait3A_196, %dma_wait3A_197] : memref<1250x4x128xi32, #tpu.memory_space<hbm>> -> memref<1x4x128xi32, #tpu.memory_space<hbm>>
          %dma_wait3A_199 = tpu.memref_squeeze %dma_wait3A_198 : memref<1x4x128xi32, #tpu.memory_space<hbm>> -> memref<4x128xi32, #tpu.memory_space<hbm>>
          tpu.wait_dma2 semaphore(%run_scoped3A : memref<!tpu.dma_semaphore, #tpu.memory_space<semaphore_mem>>) src(%dma_wait3A_199 : memref<4x128xi32, #tpu.memory_space<hbm>>) dst(%arg7 : memref<4x128xi32, #tpu.memory_space<vmem>>)
          tpu.yield
        }) : () -> ()
        %dma_start3A = arith.constant 0 : i32
        %dma_start3A_66 = arith.constant 0 : i32
        %dma_start3A_67 = arith.constant 0 : i32
        %dma_start3A_68 = arith.constant 0 : i32
        %dma_start3A_69 = arith.constant 0 : i32
        %dma_start3A_70 = tpu.memref_slice %arg8[%dma_start3A_66, %dma_start3A_68, %dma_start3A_69] : memref<2x128x128xf32, #tpu.memory_space<vmem>> -> memref<1x128x128xf32, #tpu.memory_space<vmem>>
        %dma_start3A_71 = tpu.memref_squeeze %dma_start3A_70 : memref<1x128x128xf32, #tpu.memory_space<vmem>> -> memref<128x128xf32, #tpu.memory_space<vmem>>
        %dma_start3A_72 = arith.constant 0 : i32
        %dma_start3A_73 = tpu.memref_slice %arg7[%dma_start3A, %dma_start3A_72] : memref<4x128xi32, #tpu.memory_space<vmem>> -> memref<1x128xi32, #tpu.memory_space<vmem>>
        %dma_start3A_74 = tpu.memref_squeeze %dma_start3A_73 : memref<1x128xi32, #tpu.memory_space<vmem>> -> memref<128xi32, #tpu.memory_space<vmem>>
        %dma_start3A_75 = arith.constant 0 : i32
        %dma_start3A_76 = arith.constant 0 : i32
        %dma_start3A_77 = tpu.memref_slice %arg3[%dma_start3A_75, %dma_start3A_76] : memref<10000x128xf32, #tpu.memory_space<hbm>> -> memref<10000x128xf32, #tpu.memory_space<hbm>>
        %dma_start3A_78 = tpu.memref_slice %arg10[%dma_start3A_67] : memref<2x!tpu.dma_semaphore, #tpu.memory_space<semaphore_mem>> -> memref<1x!tpu.dma_semaphore, #tpu.memory_space<semaphore_mem>>
        %dma_start3A_79 = tpu.memref_squeeze %dma_start3A_78 : memref<1x!tpu.dma_semaphore, #tpu.memory_space<semaphore_mem>> -> memref<!tpu.dma_semaphore, #tpu.memory_space<semaphore_mem>>
        tpu.enqueue_indirect_dma source(%dma_start3A_77 : memref<10000x128xf32, #tpu.memory_space<hbm>>) target(%dma_start3A_71 : memref<128x128xf32, #tpu.memory_space<vmem>>) offsets(%dma_start3A_74 : memref<128xi32, #tpu.memory_space<vmem>>) semaphore(%dma_start3A_79 : memref<!tpu.dma_semaphore, #tpu.memory_space<semaphore_mem>>)
        %dma_start3A_80 = arith.constant 1 : i32
        %dma_start3A_81 = arith.constant 1 : i32
        %dma_start3A_82 = arith.constant 1 : i32
        %dma_start3A_83 = arith.constant 0 : i32
        %dma_start3A_84 = arith.constant 0 : i32
        %dma_start3A_85 = tpu.memref_slice %arg8[%dma_start3A_81, %dma_start3A_83, %dma_start3A_84] : memref<2x128x128xf32, #tpu.memory_space<vmem>> -> memref<1x128x128xf32, #tpu.memory_space<vmem>>
        %dma_start3A_86 = tpu.memref_squeeze %dma_start3A_85 : memref<1x128x128xf32, #tpu.memory_space<vmem>> -> memref<128x128xf32, #tpu.memory_space<vmem>>
        %dma_start3A_87 = arith.constant 0 : i32
        %dma_start3A_88 = tpu.memref_slice %arg7[%dma_start3A_80, %dma_start3A_87] : memref<4x128xi32, #tpu.memory_space<vmem>> -> memref<1x128xi32, #tpu.memory_space<vmem>>
        %dma_start3A_89 = tpu.memref_squeeze %dma_start3A_88 : memref<1x128xi32, #tpu.memory_space<vmem>> -> memref<128xi32, #tpu.memory_space<vmem>>
        %dma_start3A_90 = arith.constant 0 : i32
        %dma_start3A_91 = arith.constant 0 : i32
        %dma_start3A_92 = tpu.memref_slice %arg3[%dma_start3A_90, %dma_start3A_91] : memref<10000x128xf32, #tpu.memory_space<hbm>> -> memref<10000x128xf32, #tpu.memory_space<hbm>>
        %dma_start3A_93 = tpu.memref_slice %arg10[%dma_start3A_82] : memref<2x!tpu.dma_semaphore, #tpu.memory_space<semaphore_mem>> -> memref<1x!tpu.dma_semaphore, #tpu.memory_space<semaphore_mem>>
        %dma_start3A_94 = tpu.memref_squeeze %dma_start3A_93 : memref<1x!tpu.dma_semaphore, #tpu.memory_space<semaphore_mem>> -> memref<!tpu.dma_semaphore, #tpu.memory_space<semaphore_mem>>
        tpu.enqueue_indirect_dma source(%dma_start3A_92 : memref<10000x128xf32, #tpu.memory_space<hbm>>) target(%dma_start3A_86 : memref<128x128xf32, #tpu.memory_space<vmem>>) offsets(%dma_start3A_89 : memref<128xi32, #tpu.memory_space<vmem>>) semaphore(%dma_start3A_94 : memref<!tpu.dma_semaphore, #tpu.memory_space<semaphore_mem>>)
        %dma_wait3A = arith.constant 0 : i32
        %dma_wait3A_95 = arith.constant 0 : i32
        %dma_wait3A_96 = arith.constant 0 : i32
        %dma_wait3A_97 = arith.constant 0 : i32
        %dma_wait3A_98 = arith.constant 0 : i32
        %dma_wait3A_99 = tpu.memref_slice %arg8[%dma_wait3A_95, %dma_wait3A_97, %dma_wait3A_98] : memref<2x128x128xf32, #tpu.memory_space<vmem>> -> memref<1x128x128xf32, #tpu.memory_space<vmem>>
        %dma_wait3A_100 = tpu.memref_squeeze %dma_wait3A_99 : memref<1x128x128xf32, #tpu.memory_space<vmem>> -> memref<128x128xf32, #tpu.memory_space<vmem>>
        %dma_wait3A_101 = arith.constant 0 : i32
        %dma_wait3A_102 = tpu.memref_slice %arg7[%dma_wait3A, %dma_wait3A_101] : memref<4x128xi32, #tpu.memory_space<vmem>> -> memref<1x128xi32, #tpu.memory_space<vmem>>
        %dma_wait3A_103 = tpu.memref_squeeze %dma_wait3A_102 : memref<1x128xi32, #tpu.memory_space<vmem>> -> memref<128xi32, #tpu.memory_space<vmem>>
        %dma_wait3A_104 = arith.constant 0 : i32
        %dma_wait3A_105 = arith.constant 0 : i32
        %dma_wait3A_106 = tpu.memref_slice %arg3[%dma_wait3A_104, %dma_wait3A_105] : memref<10000x128xf32, #tpu.memory_space<hbm>> -> memref<10000x128xf32, #tpu.memory_space<hbm>>
        %dma_wait3A_107 = tpu.memref_slice %arg10[%dma_wait3A_96] : memref<2x!tpu.dma_semaphore, #tpu.memory_space<semaphore_mem>> -> memref<1x!tpu.dma_semaphore, #tpu.memory_space<semaphore_mem>>
        %dma_wait3A_108 = tpu.memref_squeeze %dma_wait3A_107 : memref<1x!tpu.dma_semaphore, #tpu.memory_space<semaphore_mem>> -> memref<!tpu.dma_semaphore, #tpu.memory_space<semaphore_mem>>
        tpu.wait_indirect_dma semaphore(%dma_wait3A_108 : memref<!tpu.dma_semaphore, #tpu.memory_space<semaphore_mem>>) src(%dma_wait3A_106 : memref<10000x128xf32, #tpu.memory_space<hbm>>) dst(%dma_wait3A_100 : memref<128x128xf32, #tpu.memory_space<vmem>>)
        %dma_start3A_109 = arith.constant 0 : i32
        %dma_start3A_110 = arith.constant 2 : i32
        %dma_start3A_111 = arith.constant 0 : i32
        %dma_start3A_112 = arith.constant 0 : i32
        %dma_start3A_113 = arith.constant 0 : i32
        %dma_start3A_114 = tpu.memref_slice %arg8[%dma_start3A_109, %dma_start3A_112, %dma_start3A_113] : memref<2x128x128xf32, #tpu.memory_space<vmem>> -> memref<1x128x128xf32, #tpu.memory_space<vmem>>
        %dma_start3A_115 = tpu.memref_squeeze %dma_start3A_114 : memref<1x128x128xf32, #tpu.memory_space<vmem>> -> memref<128x128xf32, #tpu.memory_space<vmem>>
        %dma_start3A_116 = arith.constant 0 : i32
        %dma_start3A_117 = tpu.memref_slice %arg7[%dma_start3A_110, %dma_start3A_116] : memref<4x128xi32, #tpu.memory_space<vmem>> -> memref<1x128xi32, #tpu.memory_space<vmem>>
        %dma_start3A_118 = tpu.memref_squeeze %dma_start3A_117 : memref<1x128xi32, #tpu.memory_space<vmem>> -> memref<128xi32, #tpu.memory_space<vmem>>
        %dma_start3A_119 = arith.constant 0 : i32
        %dma_start3A_120 = arith.constant 0 : i32
        %dma_start3A_121 = tpu.memref_slice %arg9[%dma_start3A_119, %dma_start3A_120] : memref<10240x128xf32, #tpu.memory_space<vmem_shared>> -> memref<10240x128xf32, #tpu.memory_space<vmem_shared>>
        %dma_start3A_122 = tpu.memref_slice %arg11[%dma_start3A_111] : memref<2x!tpu.dma_semaphore, #tpu.memory_space<semaphore_mem>> -> memref<1x!tpu.dma_semaphore, #tpu.memory_space<semaphore_mem>>
        %dma_start3A_123 = tpu.memref_squeeze %dma_start3A_122 : memref<1x!tpu.dma_semaphore, #tpu.memory_space<semaphore_mem>> -> memref<!tpu.dma_semaphore, #tpu.memory_space<semaphore_mem>>
        tpu.enqueue_indirect_dma source(%dma_start3A_115 : memref<128x128xf32, #tpu.memory_space<vmem>>) target(%dma_start3A_121 : memref<10240x128xf32, #tpu.memory_space<vmem_shared>>) offsets(%dma_start3A_118 : memref<128xi32, #tpu.memory_space<vmem>>) semaphore(%dma_start3A_123 : memref<!tpu.dma_semaphore, #tpu.memory_space<semaphore_mem>>) {add = true}
        %dma_wait3A_124 = arith.constant 1 : i32
        %dma_wait3A_125 = arith.constant 1 : i32
        %dma_wait3A_126 = arith.constant 1 : i32
        %dma_wait3A_127 = arith.constant 0 : i32
        %dma_wait3A_128 = arith.constant 0 : i32
        %dma_wait3A_129 = tpu.memref_slice %arg8[%dma_wait3A_125, %dma_wait3A_127, %dma_wait3A_128] : memref<2x128x128xf32, #tpu.memory_space<vmem>> -> memref<1x128x128xf32, #tpu.memory_space<vmem>>
        %dma_wait3A_130 = tpu.memref_squeeze %dma_wait3A_129 : memref<1x128x128xf32, #tpu.memory_space<vmem>> -> memref<128x128xf32, #tpu.memory_space<vmem>>
        %dma_wait3A_131 = arith.constant 0 : i32
        %dma_wait3A_132 = tpu.memref_slice %arg7[%dma_wait3A_124, %dma_wait3A_131] : memref<4x128xi32, #tpu.memory_space<vmem>> -> memref<1x128xi32, #tpu.memory_space<vmem>>
        %dma_wait3A_133 = tpu.memref_squeeze %dma_wait3A_132 : memref<1x128xi32, #tpu.memory_space<vmem>> -> memref<128xi32, #tpu.memory_space<vmem>>
        %dma_wait3A_134 = arith.constant 0 : i32
        %dma_wait3A_135 = arith.constant 0 : i32
        %dma_wait3A_136 = tpu.memref_slice %arg3[%dma_wait3A_134, %dma_wait3A_135] : memref<10000x128xf32, #tpu.memory_space<hbm>> -> memref<10000x128xf32, #tpu.memory_space<hbm>>
        %dma_wait3A_137 = tpu.memref_slice %arg10[%dma_wait3A_126] : memref<2x!tpu.dma_semaphore, #tpu.memory_space<semaphore_mem>> -> memref<1x!tpu.dma_semaphore, #tpu.memory_space<semaphore_mem>>
        %dma_wait3A_138 = tpu.memref_squeeze %dma_wait3A_137 : memref<1x!tpu.dma_semaphore, #tpu.memory_space<semaphore_mem>> -> memref<!tpu.dma_semaphore, #tpu.memory_space<semaphore_mem>>
        tpu.wait_indirect_dma semaphore(%dma_wait3A_138 : memref<!tpu.dma_semaphore, #tpu.memory_space<semaphore_mem>>) src(%dma_wait3A_136 : memref<10000x128xf32, #tpu.memory_space<hbm>>) dst(%dma_wait3A_130 : memref<128x128xf32, #tpu.memory_space<vmem>>)
        %dma_start3A_139 = arith.constant 1 : i32
        %dma_start3A_140 = arith.constant 3 : i32
        %dma_start3A_141 = arith.constant 1 : i32
        %dma_start3A_142 = arith.constant 0 : i32
        %dma_start3A_143 = arith.constant 0 : i32
        %dma_start3A_144 = tpu.memref_slice %arg8[%dma_start3A_139, %dma_start3A_142, %dma_start3A_143] : memref<2x128x128xf32, #tpu.memory_space<vmem>> -> memref<1x128x128xf32, #tpu.memory_space<vmem>>
        %dma_start3A_145 = tpu.memref_squeeze %dma_start3A_144 : memref<1x128x128xf32, #tpu.memory_space<vmem>> -> memref<128x128xf32, #tpu.memory_space<vmem>>
        %dma_start3A_146 = arith.constant 0 : i32
        %dma_start3A_147 = tpu.memref_slice %arg7[%dma_start3A_140, %dma_start3A_146] : memref<4x128xi32, #tpu.memory_space<vmem>> -> memref<1x128xi32, #tpu.memory_space<vmem>>
        %dma_start3A_148 = tpu.memref_squeeze %dma_start3A_147 : memref<1x128xi32, #tpu.memory_space<vmem>> -> memref<128xi32, #tpu.memory_space<vmem>>
        %dma_start3A_149 = arith.constant 0 : i32
        %dma_start3A_150 = arith.constant 0 : i32
        %dma_start3A_151 = tpu.memref_slice %arg9[%dma_start3A_149, %dma_start3A_150] : memref<10240x128xf32, #tpu.memory_space<vmem_shared>> -> memref<10240x128xf32, #tpu.memory_space<vmem_shared>>
        %dma_start3A_152 = tpu.memref_slice %arg11[%dma_start3A_141] : memref<2x!tpu.dma_semaphore, #tpu.memory_space<semaphore_mem>> -> memref<1x!tpu.dma_semaphore, #tpu.memory_space<semaphore_mem>>
        %dma_start3A_153 = tpu.memref_squeeze %dma_start3A_152 : memref<1x!tpu.dma_semaphore, #tpu.memory_space<semaphore_mem>> -> memref<!tpu.dma_semaphore, #tpu.memory_space<semaphore_mem>>
        tpu.enqueue_indirect_dma source(%dma_start3A_145 : memref<128x128xf32, #tpu.memory_space<vmem>>) target(%dma_start3A_151 : memref<10240x128xf32, #tpu.memory_space<vmem_shared>>) offsets(%dma_start3A_148 : memref<128xi32, #tpu.memory_space<vmem>>) semaphore(%dma_start3A_153 : memref<!tpu.dma_semaphore, #tpu.memory_space<semaphore_mem>>) {add = true}
        %dma_wait3A_154 = arith.constant 0 : i32
        %dma_wait3A_155 = arith.constant 2 : i32
        %dma_wait3A_156 = arith.constant 0 : i32
        %dma_wait3A_157 = arith.constant 0 : i32
        %dma_wait3A_158 = arith.constant 0 : i32
        %dma_wait3A_159 = tpu.memref_slice %arg8[%dma_wait3A_154, %dma_wait3A_157, %dma_wait3A_158] : memref<2x128x128xf32, #tpu.memory_space<vmem>> -> memref<1x128x128xf32, #tpu.memory_space<vmem>>
        %dma_wait3A_160 = tpu.memref_squeeze %dma_wait3A_159 : memref<1x128x128xf32, #tpu.memory_space<vmem>> -> memref<128x128xf32, #tpu.memory_space<vmem>>
        %dma_wait3A_161 = arith.constant 0 : i32
        %dma_wait3A_162 = tpu.memref_slice %arg7[%dma_wait3A_155, %dma_wait3A_161] : memref<4x128xi32, #tpu.memory_space<vmem>> -> memref<1x128xi32, #tpu.memory_space<vmem>>
        %dma_wait3A_163 = tpu.memref_squeeze %dma_wait3A_162 : memref<1x128xi32, #tpu.memory_space<vmem>> -> memref<128xi32, #tpu.memory_space<vmem>>
        %dma_wait3A_164 = arith.constant 0 : i32
        %dma_wait3A_165 = arith.constant 0 : i32
        %dma_wait3A_166 = tpu.memref_slice %arg9[%dma_wait3A_164, %dma_wait3A_165] : memref<10240x128xf32, #tpu.memory_space<vmem_shared>> -> memref<10240x128xf32, #tpu.memory_space<vmem_shared>>
        %dma_wait3A_167 = tpu.memref_slice %arg11[%dma_wait3A_156] : memref<2x!tpu.dma_semaphore, #tpu.memory_space<semaphore_mem>> -> memref<1x!tpu.dma_semaphore, #tpu.memory_space<semaphore_mem>>
        %dma_wait3A_168 = tpu.memref_squeeze %dma_wait3A_167 : memref<1x!tpu.dma_semaphore, #tpu.memory_space<semaphore_mem>> -> memref<!tpu.dma_semaphore, #tpu.memory_space<semaphore_mem>>
        tpu.wait_indirect_dma semaphore(%dma_wait3A_168 : memref<!tpu.dma_semaphore, #tpu.memory_space<semaphore_mem>>) src(%dma_wait3A_160 : memref<128x128xf32, #tpu.memory_space<vmem>>) dst(%dma_wait3A_166 : memref<10240x128xf32, #tpu.memory_space<vmem_shared>>)
        %dma_wait3A_169 = arith.constant 1 : i32
        %dma_wait3A_170 = arith.constant 3 : i32
        %dma_wait3A_171 = arith.constant 1 : i32
        %dma_wait3A_172 = arith.constant 0 : i32
        %dma_wait3A_173 = arith.constant 0 : i32
        %dma_wait3A_174 = tpu.memref_slice %arg8[%dma_wait3A_169, %dma_wait3A_172, %dma_wait3A_173] : memref<2x128x128xf32, #tpu.memory_space<vmem>> -> memref<1x128x128xf32, #tpu.memory_space<vmem>>
        %dma_wait3A_175 = tpu.memref_squeeze %dma_wait3A_174 : memref<1x128x128xf32, #tpu.memory_space<vmem>> -> memref<128x128xf32, #tpu.memory_space<vmem>>
        %dma_wait3A_176 = arith.constant 0 : i32
        %dma_wait3A_177 = tpu.memref_slice %arg7[%dma_wait3A_170, %dma_wait3A_176] : memref<4x128xi32, #tpu.memory_space<vmem>> -> memref<1x128xi32, #tpu.memory_space<vmem>>
        %dma_wait3A_178 = tpu.memref_squeeze %dma_wait3A_177 : memref<1x128xi32, #tpu.memory_space<vmem>> -> memref<128xi32, #tpu.memory_space<vmem>>
        %dma_wait3A_179 = arith.constant 0 : i32
        %dma_wait3A_180 = arith.constant 0 : i32
        %dma_wait3A_181 = tpu.memref_slice %arg9[%dma_wait3A_179, %dma_wait3A_180] : memref<10240x128xf32, #tpu.memory_space<vmem_shared>> -> memref<10240x128xf32, #tpu.memory_space<vmem_shared>>
        %dma_wait3A_182 = tpu.memref_slice %arg11[%dma_wait3A_171] : memref<2x!tpu.dma_semaphore, #tpu.memory_space<semaphore_mem>> -> memref<1x!tpu.dma_semaphore, #tpu.memory_space<semaphore_mem>>
        %dma_wait3A_183 = tpu.memref_squeeze %dma_wait3A_182 : memref<1x!tpu.dma_semaphore, #tpu.memory_space<semaphore_mem>> -> memref<!tpu.dma_semaphore, #tpu.memory_space<semaphore_mem>>
        tpu.wait_indirect_dma semaphore(%dma_wait3A_183 : memref<!tpu.dma_semaphore, #tpu.memory_space<semaphore_mem>>) src(%dma_wait3A_175 : memref<128x128xf32, #tpu.memory_space<vmem>>) dst(%dma_wait3A_181 : memref<10240x128xf32, #tpu.memory_space<vmem_shared>>)
      }
      %while3A_64 = arith.constant 1 : i32
      scf.for %while3A_65 = %while3A_62 to %while3A_58 step %while3A_64  : i32 {
        "tpu.region"() ({
          %run_scoped3A = tpu.sem_alloc : memref<!tpu.dma_semaphore, #tpu.memory_space<semaphore_mem>>
          %dma_start3A_184 = arith.constant 0 : i32
          %dma_start3A_185 = arith.constant 0 : i32
          %dma_start3A_186 = tpu.memref_slice %arg2[%while3A_65, %dma_start3A_184, %dma_start3A_185] : memref<1250x4x128xi32, #tpu.memory_space<hbm>> -> memref<1x4x128xi32, #tpu.memory_space<hbm>>
          %dma_start3A_187 = tpu.memref_squeeze %dma_start3A_186 : memref<1x4x128xi32, #tpu.memory_space<hbm>> -> memref<4x128xi32, #tpu.memory_space<hbm>>
          %dma_start3A_188 = arith.constant 0 : i32
          %dma_start3A_189 = arith.constant 0 : i32
          %dma_start3A_190 = tpu.memref_slice %arg2[%while3A_65, %dma_start3A_188, %dma_start3A_189] : memref<1250x4x128xi32, #tpu.memory_space<hbm>> -> memref<1x4x128xi32, #tpu.memory_space<hbm>>
          %dma_start3A_191 = tpu.memref_squeeze %dma_start3A_190 : memref<1x4x128xi32, #tpu.memory_space<hbm>> -> memref<4x128xi32, #tpu.memory_space<hbm>>
          tpu.enqueue_dma source(%dma_start3A_191 : memref<4x128xi32, #tpu.memory_space<hbm>>) target(%arg7 : memref<4x128xi32, #tpu.memory_space<vmem>>) target_semaphore(%run_scoped3A : memref<!tpu.dma_semaphore, #tpu.memory_space<semaphore_mem>>)
          %dma_wait3A_192 = arith.constant 0 : i32
          %dma_wait3A_193 = arith.constant 0 : i32
          %dma_wait3A_194 = tpu.memref_slice %arg2[%while3A_65, %dma_wait3A_192, %dma_wait3A_193] : memref<1250x4x128xi32, #tpu.memory_space<hbm>> -> memref<1x4x128xi32, #tpu.memory_space<hbm>>
          %dma_wait3A_195 = tpu.memref_squeeze %dma_wait3A_194 : memref<1x4x128xi32, #tpu.memory_space<hbm>> -> memref<4x128xi32, #tpu.memory_space<hbm>>
          %dma_wait3A_196 = arith.constant 0 : i32
          %dma_wait3A_197 = arith.constant 0 : i32
          %dma_wait3A_198 = tpu.memref_slice %arg2[%while3A_65, %dma_wait3A_196, %dma_wait3A_197] : memref<1250x4x128xi32, #tpu.memory_space<hbm>> -> memref<1x4x128xi32, #tpu.memory_space<hbm>>
          %dma_wait3A_199 = tpu.memref_squeeze %dma_wait3A_198 : memref<1x4x128xi32, #tpu.memory_space<hbm>> -> memref<4x128xi32, #tpu.memory_space<hbm>>
          tpu.wait_dma2 semaphore(%run_scoped3A : memref<!tpu.dma_semaphore, #tpu.memory_space<semaphore_mem>>) src(%dma_wait3A_199 : memref<4x128xi32, #tpu.memory_space<hbm>>) dst(%arg7 : memref<4x128xi32, #tpu.memory_space<vmem>>)
          tpu.yield
        }) : () -> ()
        %dma_start3A = arith.constant 0 : i32
        %dma_start3A_66 = arith.constant 0 : i32
        %dma_start3A_67 = arith.constant 0 : i32
        %dma_start3A_68 = arith.constant 0 : i32
        %dma_start3A_69 = arith.constant 0 : i32
        %dma_start3A_70 = tpu.memref_slice %arg8[%dma_start3A_66, %dma_start3A_68, %dma_start3A_69] : memref<2x128x128xf32, #tpu.memory_space<vmem>> -> memref<1x128x128xf32, #tpu.memory_space<vmem>>
        %dma_start3A_71 = tpu.memref_squeeze %dma_start3A_70 : memref<1x128x128xf32, #tpu.memory_space<vmem>> -> memref<128x128xf32, #tpu.memory_space<vmem>>
        %dma_start3A_72 = arith.constant 0 : i32
        %dma_start3A_73 = tpu.memref_slice %arg7[%dma_start3A, %dma_start3A_72] : memref<4x128xi32, #tpu.memory_space<vmem>> -> memref<1x128xi32, #tpu.memory_space<vmem>>
        %dma_start3A_74 = tpu.memref_squeeze %dma_start3A_73 : memref<1x128xi32, #tpu.memory_space<vmem>> -> memref<128xi32, #tpu.memory_space<vmem>>
        %dma_start3A_75 = arith.constant 0 : i32
        %dma_start3A_76 = arith.constant 0 : i32
        %dma_start3A_77 = tpu.memref_slice %arg3[%dma_start3A_75, %dma_start3A_76] : memref<10000x128xf32, #tpu.memory_space<hbm>> -> memref<10000x128xf32, #tpu.memory_space<hbm>>
        %dma_start3A_78 = tpu.memref_slice %arg10[%dma_start3A_67] : memref<2x!tpu.dma_semaphore, #tpu.memory_space<semaphore_mem>> -> memref<1x!tpu.dma_semaphore, #tpu.memory_space<semaphore_mem>>
        %dma_start3A_79 = tpu.memref_squeeze %dma_start3A_78 : memref<1x!tpu.dma_semaphore, #tpu.memory_space<semaphore_mem>> -> memref<!tpu.dma_semaphore, #tpu.memory_space<semaphore_mem>>
        tpu.enqueue_indirect_dma source(%dma_start3A_77 : memref<10000x128xf32, #tpu.memory_space<hbm>>) target(%dma_start3A_71 : memref<128x128xf32, #tpu.memory_space<vmem>>) offsets(%dma_start3A_74 : memref<128xi32, #tpu.memory_space<vmem>>) semaphore(%dma_start3A_79 : memref<!tpu.dma_semaphore, #tpu.memory_space<semaphore_mem>>)
        %dma_start3A_80 = arith.constant 1 : i32
        %dma_start3A_81 = arith.constant 1 : i32
        %dma_start3A_82 = arith.constant 1 : i32
        %dma_start3A_83 = arith.constant 0 : i32
        %dma_start3A_84 = arith.constant 0 : i32
        %dma_start3A_85 = tpu.memref_slice %arg8[%dma_start3A_81, %dma_start3A_83, %dma_start3A_84] : memref<2x128x128xf32, #tpu.memory_space<vmem>> -> memref<1x128x128xf32, #tpu.memory_space<vmem>>
        %dma_start3A_86 = tpu.memref_squeeze %dma_start3A_85 : memref<1x128x128xf32, #tpu.memory_space<vmem>> -> memref<128x128xf32, #tpu.memory_space<vmem>>
        %dma_start3A_87 = arith.constant 0 : i32
        %dma_start3A_88 = tpu.memref_slice %arg7[%dma_start3A_80, %dma_start3A_87] : memref<4x128xi32, #tpu.memory_space<vmem>> -> memref<1x128xi32, #tpu.memory_space<vmem>>
        %dma_start3A_89 = tpu.memref_squeeze %dma_start3A_88 : memref<1x128xi32, #tpu.memory_space<vmem>> -> memref<128xi32, #tpu.memory_space<vmem>>
        %dma_start3A_90 = arith.constant 0 : i32
        %dma_start3A_91 = arith.constant 0 : i32
        %dma_start3A_92 = tpu.memref_slice %arg3[%dma_start3A_90, %dma_start3A_91] : memref<10000x128xf32, #tpu.memory_space<hbm>> -> memref<10000x128xf32, #tpu.memory_space<hbm>>
        %dma_start3A_93 = tpu.memref_slice %arg10[%dma_start3A_82] : memref<2x!tpu.dma_semaphore, #tpu.memory_space<semaphore_mem>> -> memref<1x!tpu.dma_semaphore, #tpu.memory_space<semaphore_mem>>
        %dma_start3A_94 = tpu.memref_squeeze %dma_start3A_93 : memref<1x!tpu.dma_semaphore, #tpu.memory_space<semaphore_mem>> -> memref<!tpu.dma_semaphore, #tpu.memory_space<semaphore_mem>>
        tpu.enqueue_indirect_dma source(%dma_start3A_92 : memref<10000x128xf32, #tpu.memory_space<hbm>>) target(%dma_start3A_86 : memref<128x128xf32, #tpu.memory_space<vmem>>) offsets(%dma_start3A_89 : memref<128xi32, #tpu.memory_space<vmem>>) semaphore(%dma_start3A_94 : memref<!tpu.dma_semaphore, #tpu.memory_space<semaphore_mem>>)
        %dma_wait3A = arith.constant 0 : i32
        %dma_wait3A_95 = arith.constant 0 : i32
        %dma_wait3A_96 = arith.constant 0 : i32
        %dma_wait3A_97 = arith.constant 0 : i32
        %dma_wait3A_98 = arith.constant 0 : i32
        %dma_wait3A_99 = tpu.memref_slice %arg8[%dma_wait3A_95, %dma_wait3A_97, %dma_wait3A_98] : memref<2x128x128xf32, #tpu.memory_space<vmem>> -> memref<1x128x128xf32, #tpu.memory_space<vmem>>
        %dma_wait3A_100 = tpu.memref_squeeze %dma_wait3A_99 : memref<1x128x128xf32, #tpu.memory_space<vmem>> -> memref<128x128xf32, #tpu.memory_space<vmem>>
        %dma_wait3A_101 = arith.constant 0 : i32
        %dma_wait3A_102 = tpu.memref_slice %arg7[%dma_wait3A, %dma_wait3A_101] : memref<4x128xi32, #tpu.memory_space<vmem>> -> memref<1x128xi32, #tpu.memory_space<vmem>>
        %dma_wait3A_103 = tpu.memref_squeeze %dma_wait3A_102 : memref<1x128xi32, #tpu.memory_space<vmem>> -> memref<128xi32, #tpu.memory_space<vmem>>
        %dma_wait3A_104 = arith.constant 0 : i32
        %dma_wait3A_105 = arith.constant 0 : i32
        %dma_wait3A_106 = tpu.memref_slice %arg3[%dma_wait3A_104, %dma_wait3A_105] : memref<10000x128xf32, #tpu.memory_space<hbm>> -> memref<10000x128xf32, #tpu.memory_space<hbm>>
        %dma_wait3A_107 = tpu.memref_slice %arg10[%dma_wait3A_96] : memref<2x!tpu.dma_semaphore, #tpu.memory_space<semaphore_mem>> -> memref<1x!tpu.dma_semaphore, #tpu.memory_space<semaphore_mem>>
        %dma_wait3A_108 = tpu.memref_squeeze %dma_wait3A_107 : memref<1x!tpu.dma_semaphore, #tpu.memory_space<semaphore_mem>> -> memref<!tpu.dma_semaphore, #tpu.memory_space<semaphore_mem>>
        tpu.wait_indirect_dma semaphore(%dma_wait3A_108 : memref<!tpu.dma_semaphore, #tpu.memory_space<semaphore_mem>>) src(%dma_wait3A_106 : memref<10000x128xf32, #tpu.memory_space<hbm>>) dst(%dma_wait3A_100 : memref<128x128xf32, #tpu.memory_space<vmem>>)
        %dma_start3A_109 = arith.constant 0 : i32
        %dma_start3A_110 = arith.constant 2 : i32
        %dma_start3A_111 = arith.constant 0 : i32
        %dma_start3A_112 = arith.constant 0 : i32
        %dma_start3A_113 = arith.constant 0 : i32
        %dma_start3A_114 = tpu.memref_slice %arg8[%dma_start3A_109, %dma_start3A_112, %dma_start3A_113] : memref<2x128x128xf32, #tpu.memory_space<vmem>> -> memref<1x128x128xf32, #tpu.memory_space<vmem>>
        %dma_start3A_115 = tpu.memref_squeeze %dma_start3A_114 : memref<1x128x128xf32, #tpu.memory_space<vmem>> -> memref<128x128xf32, #tpu.memory_space<vmem>>
        %dma_start3A_116 = arith.constant 0 : i32
        %dma_start3A_117 = tpu.memref_slice %arg7[%dma_start3A_110, %dma_start3A_116] : memref<4x128xi32, #tpu.memory_space<vmem>> -> memref<1x128xi32, #tpu.memory_space<vmem>>
        %dma_start3A_118 = tpu.memref_squeeze %dma_start3A_117 : memref<1x128xi32, #tpu.memory_space<vmem>> -> memref<128xi32, #tpu.memory_space<vmem>>
        %dma_start3A_119 = arith.constant 0 : i32
        %dma_start3A_120 = arith.constant 0 : i32
        %dma_start3A_121 = tpu.memref_slice %arg9[%dma_start3A_119, %dma_start3A_120] : memref<10240x128xf32, #tpu.memory_space<vmem_shared>> -> memref<10240x128xf32, #tpu.memory_space<vmem_shared>>
        %dma_start3A_122 = tpu.memref_slice %arg11[%dma_start3A_111] : memref<2x!tpu.dma_semaphore, #tpu.memory_space<semaphore_mem>> -> memref<1x!tpu.dma_semaphore, #tpu.memory_space<semaphore_mem>>
        %dma_start3A_123 = tpu.memref_squeeze %dma_start3A_122 : memref<1x!tpu.dma_semaphore, #tpu.memory_space<semaphore_mem>> -> memref<!tpu.dma_semaphore, #tpu.memory_space<semaphore_mem>>
        tpu.enqueue_indirect_dma source(%dma_start3A_115 : memref<128x128xf32, #tpu.memory_space<vmem>>) target(%dma_start3A_121 : memref<10240x128xf32, #tpu.memory_space<vmem_shared>>) offsets(%dma_start3A_118 : memref<128xi32, #tpu.memory_space<vmem>>) semaphore(%dma_start3A_123 : memref<!tpu.dma_semaphore, #tpu.memory_space<semaphore_mem>>) {add = true}
        %dma_wait3A_124 = arith.constant 1 : i32
        %dma_wait3A_125 = arith.constant 1 : i32
        %dma_wait3A_126 = arith.constant 1 : i32
        %dma_wait3A_127 = arith.constant 0 : i32
        %dma_wait3A_128 = arith.constant 0 : i32
        %dma_wait3A_129 = tpu.memref_slice %arg8[%dma_wait3A_125, %dma_wait3A_127, %dma_wait3A_128] : memref<2x128x128xf32, #tpu.memory_space<vmem>> -> memref<1x128x128xf32, #tpu.memory_space<vmem>>
        %dma_wait3A_130 = tpu.memref_squeeze %dma_wait3A_129 : memref<1x128x128xf32, #tpu.memory_space<vmem>> -> memref<128x128xf32, #tpu.memory_space<vmem>>
        %dma_wait3A_131 = arith.constant 0 : i32
        %dma_wait3A_132 = tpu.memref_slice %arg7[%dma_wait3A_124, %dma_wait3A_131] : memref<4x128xi32, #tpu.memory_space<vmem>> -> memref<1x128xi32, #tpu.memory_space<vmem>>
        %dma_wait3A_133 = tpu.memref_squeeze %dma_wait3A_132 : memref<1x128xi32, #tpu.memory_space<vmem>> -> memref<128xi32, #tpu.memory_space<vmem>>
        %dma_wait3A_134 = arith.constant 0 : i32
        %dma_wait3A_135 = arith.constant 0 : i32
        %dma_wait3A_136 = tpu.memref_slice %arg3[%dma_wait3A_134, %dma_wait3A_135] : memref<10000x128xf32, #tpu.memory_space<hbm>> -> memref<10000x128xf32, #tpu.memory_space<hbm>>
        %dma_wait3A_137 = tpu.memref_slice %arg10[%dma_wait3A_126] : memref<2x!tpu.dma_semaphore, #tpu.memory_space<semaphore_mem>> -> memref<1x!tpu.dma_semaphore, #tpu.memory_space<semaphore_mem>>
        %dma_wait3A_138 = tpu.memref_squeeze %dma_wait3A_137 : memref<1x!tpu.dma_semaphore, #tpu.memory_space<semaphore_mem>> -> memref<!tpu.dma_semaphore, #tpu.memory_space<semaphore_mem>>
        tpu.wait_indirect_dma semaphore(%dma_wait3A_138 : memref<!tpu.dma_semaphore, #tpu.memory_space<semaphore_mem>>) src(%dma_wait3A_136 : memref<10000x128xf32, #tpu.memory_space<hbm>>) dst(%dma_wait3A_130 : memref<128x128xf32, #tpu.memory_space<vmem>>)
        %dma_start3A_139 = arith.constant 1 : i32
        %dma_start3A_140 = arith.constant 3 : i32
        %dma_start3A_141 = arith.constant 1 : i32
        %dma_start3A_142 = arith.constant 0 : i32
        %dma_start3A_143 = arith.constant 0 : i32
        %dma_start3A_144 = tpu.memref_slice %arg8[%dma_start3A_139, %dma_start3A_142, %dma_start3A_143] : memref<2x128x128xf32, #tpu.memory_space<vmem>> -> memref<1x128x128xf32, #tpu.memory_space<vmem>>
        %dma_start3A_145 = tpu.memref_squeeze %dma_start3A_144 : memref<1x128x128xf32, #tpu.memory_space<vmem>> -> memref<128x128xf32, #tpu.memory_space<vmem>>
        %dma_start3A_146 = arith.constant 0 : i32
        %dma_start3A_147 = tpu.memref_slice %arg7[%dma_start3A_140, %dma_start3A_146] : memref<4x128xi32, #tpu.memory_space<vmem>> -> memref<1x128xi32, #tpu.memory_space<vmem>>
        %dma_start3A_148 = tpu.memref_squeeze %dma_start3A_147 : memref<1x128xi32, #tpu.memory_space<vmem>> -> memref<128xi32, #tpu.memory_space<vmem>>
        %dma_start3A_149 = arith.constant 0 : i32
        %dma_start3A_150 = arith.constant 0 : i32
        %dma_start3A_151 = tpu.memref_slice %arg9[%dma_start3A_149, %dma_start3A_150] : memref<10240x128xf32, #tpu.memory_space<vmem_shared>> -> memref<10240x128xf32, #tpu.memory_space<vmem_shared>>
        %dma_start3A_152 = tpu.memref_slice %arg11[%dma_start3A_141] : memref<2x!tpu.dma_semaphore, #tpu.memory_space<semaphore_mem>> -> memref<1x!tpu.dma_semaphore, #tpu.memory_space<semaphore_mem>>
        %dma_start3A_153 = tpu.memref_squeeze %dma_start3A_152 : memref<1x!tpu.dma_semaphore, #tpu.memory_space<semaphore_mem>> -> memref<!tpu.dma_semaphore, #tpu.memory_space<semaphore_mem>>
        tpu.enqueue_indirect_dma source(%dma_start3A_145 : memref<128x128xf32, #tpu.memory_space<vmem>>) target(%dma_start3A_151 : memref<10240x128xf32, #tpu.memory_space<vmem_shared>>) offsets(%dma_start3A_148 : memref<128xi32, #tpu.memory_space<vmem>>) semaphore(%dma_start3A_153 : memref<!tpu.dma_semaphore, #tpu.memory_space<semaphore_mem>>) {add = true}
        %dma_wait3A_154 = arith.constant 0 : i32
        %dma_wait3A_155 = arith.constant 2 : i32
        %dma_wait3A_156 = arith.constant 0 : i32
        %dma_wait3A_157 = arith.constant 0 : i32
        %dma_wait3A_158 = arith.constant 0 : i32
        %dma_wait3A_159 = tpu.memref_slice %arg8[%dma_wait3A_154, %dma_wait3A_157, %dma_wait3A_158] : memref<2x128x128xf32, #tpu.memory_space<vmem>> -> memref<1x128x128xf32, #tpu.memory_space<vmem>>
        %dma_wait3A_160 = tpu.memref_squeeze %dma_wait3A_159 : memref<1x128x128xf32, #tpu.memory_space<vmem>> -> memref<128x128xf32, #tpu.memory_space<vmem>>
        %dma_wait3A_161 = arith.constant 0 : i32
        %dma_wait3A_162 = tpu.memref_slice %arg7[%dma_wait3A_155, %dma_wait3A_161] : memref<4x128xi32, #tpu.memory_space<vmem>> -> memref<1x128xi32, #tpu.memory_space<vmem>>
        %dma_wait3A_163 = tpu.memref_squeeze %dma_wait3A_162 : memref<1x128xi32, #tpu.memory_space<vmem>> -> memref<128xi32, #tpu.memory_space<vmem>>
        %dma_wait3A_164 = arith.constant 0 : i32
        %dma_wait3A_165 = arith.constant 0 : i32
        %dma_wait3A_166 = tpu.memref_slice %arg9[%dma_wait3A_164, %dma_wait3A_165] : memref<10240x128xf32, #tpu.memory_space<vmem_shared>> -> memref<10240x128xf32, #tpu.memory_space<vmem_shared>>
        %dma_wait3A_167 = tpu.memref_slice %arg11[%dma_wait3A_156] : memref<2x!tpu.dma_semaphore, #tpu.memory_space<semaphore_mem>> -> memref<1x!tpu.dma_semaphore, #tpu.memory_space<semaphore_mem>>
        %dma_wait3A_168 = tpu.memref_squeeze %dma_wait3A_167 : memref<1x!tpu.dma_semaphore, #tpu.memory_space<semaphore_mem>> -> memref<!tpu.dma_semaphore, #tpu.memory_space<semaphore_mem>>
        tpu.wait_indirect_dma semaphore(%dma_wait3A_168 : memref<!tpu.dma_semaphore, #tpu.memory_space<semaphore_mem>>) src(%dma_wait3A_160 : memref<128x128xf32, #tpu.memory_space<vmem>>) dst(%dma_wait3A_166 : memref<10240x128xf32, #tpu.memory_space<vmem_shared>>)
        %dma_wait3A_169 = arith.constant 1 : i32
        %dma_wait3A_170 = arith.constant 3 : i32
        %dma_wait3A_171 = arith.constant 1 : i32
        %dma_wait3A_172 = arith.constant 0 : i32
        %dma_wait3A_173 = arith.constant 0 : i32
        %dma_wait3A_174 = tpu.memref_slice %arg8[%dma_wait3A_169, %dma_wait3A_172, %dma_wait3A_173] : memref<2x128x128xf32, #tpu.memory_space<vmem>> -> memref<1x128x128xf32, #tpu.memory_space<vmem>>
        %dma_wait3A_175 = tpu.memref_squeeze %dma_wait3A_174 : memref<1x128x128xf32, #tpu.memory_space<vmem>> -> memref<128x128xf32, #tpu.memory_space<vmem>>
        %dma_wait3A_176 = arith.constant 0 : i32
        %dma_wait3A_177 = tpu.memref_slice %arg7[%dma_wait3A_170, %dma_wait3A_176] : memref<4x128xi32, #tpu.memory_space<vmem>> -> memref<1x128xi32, #tpu.memory_space<vmem>>
        %dma_wait3A_178 = tpu.memref_squeeze %dma_wait3A_177 : memref<1x128xi32, #tpu.memory_space<vmem>> -> memref<128xi32, #tpu.memory_space<vmem>>
        %dma_wait3A_179 = arith.constant 0 : i32
        %dma_wait3A_180 = arith.constant 0 : i32
        %dma_wait3A_181 = tpu.memref_slice %arg9[%dma_wait3A_179, %dma_wait3A_180] : memref<10240x128xf32, #tpu.memory_space<vmem_shared>> -> memref<10240x128xf32, #tpu.memory_space<vmem_shared>>
        %dma_wait3A_182 = tpu.memref_slice %arg11[%dma_wait3A_171] : memref<2x!tpu.dma_semaphore, #tpu.memory_space<semaphore_mem>> -> memref<1x!tpu.dma_semaphore, #tpu.memory_space<semaphore_mem>>
        %dma_wait3A_183 = tpu.memref_squeeze %dma_wait3A_182 : memref<1x!tpu.dma_semaphore, #tpu.memory_space<semaphore_mem>> -> memref<!tpu.dma_semaphore, #tpu.memory_space<semaphore_mem>>
        tpu.wait_indirect_dma semaphore(%dma_wait3A_183 : memref<!tpu.dma_semaphore, #tpu.memory_space<semaphore_mem>>) src(%dma_wait3A_175 : memref<128x128xf32, #tpu.memory_space<vmem>>) dst(%dma_wait3A_181 : memref<10240x128xf32, #tpu.memory_space<vmem_shared>>)
      }
    } else {
    }
    %eq3A_48 = arith.constant 1 : i32
    %eq3A_49 = arith.cmpi eq, %arg0, %eq3A_48 : i32
    %convert_element_type3A_50 = arith.extui %eq3A_49 : i1 to i32
    %cond3A_51 = arith.constant 0 : i32
    %cond3A_52 = arith.cmpi ne, %convert_element_type3A_50, %cond3A_51 : i32
    scf.if %cond3A_52 {
      %broadcast_in_dim3A = arith.constant 1.000000e+00 : f32
      %broadcast_in_dim3A_56 = vector.broadcast %broadcast_in_dim3A : f32 to vector<16xf32>
      %while3A = arith.constant 0 : i32
      %while3A_57 = arith.subi %select_n3A_45, %select_n3A : i32
      %while3A_58 = arith.addi %select_n3A, %while3A_57 : i32
      %while3A_59 = arith.constant 1 : i32
      %while3A_60 = arith.divsi %while3A_57, %while3A_59 : i32
      %while3A_61 = arith.muli %while3A_60, %while3A_59 : i32
      %while3A_62 = arith.addi %select_n3A, %while3A_61 : i32
      %while3A_63 = arith.constant 1 : i32
      scf.for %while3A_65 = %select_n3A to %while3A_62 step %while3A_63  : i32 {
        "tpu.region"() ({
          %run_scoped3A = tpu.sem_alloc : memref<!tpu.dma_semaphore, #tpu.memory_space<semaphore_mem>>
          %dma_start3A_184 = arith.constant 0 : i32
          %dma_start3A_185 = arith.constant 0 : i32
          %dma_start3A_186 = tpu.memref_slice %arg2[%while3A_65, %dma_start3A_184, %dma_start3A_185] : memref<1250x4x128xi32, #tpu.memory_space<hbm>> -> memref<1x4x128xi32, #tpu.memory_space<hbm>>
          %dma_start3A_187 = tpu.memref_squeeze %dma_start3A_186 : memref<1x4x128xi32, #tpu.memory_space<hbm>> -> memref<4x128xi32, #tpu.memory_space<hbm>>
          %dma_start3A_188 = arith.constant 0 : i32
          %dma_start3A_189 = arith.constant 0 : i32
          %dma_start3A_190 = tpu.memref_slice %arg2[%while3A_65, %dma_start3A_188, %dma_start3A_189] : memref<1250x4x128xi32, #tpu.memory_space<hbm>> -> memref<1x4x128xi32, #tpu.memory_space<hbm>>
          %dma_start3A_191 = tpu.memref_squeeze %dma_start3A_190 : memref<1x4x128xi32, #tpu.memory_space<hbm>> -> memref<4x128xi32, #tpu.memory_space<hbm>>
          tpu.enqueue_dma source(%dma_start3A_191 : memref<4x128xi32, #tpu.memory_space<hbm>>) target(%arg7 : memref<4x128xi32, #tpu.memory_space<vmem>>) target_semaphore(%run_scoped3A : memref<!tpu.dma_semaphore, #tpu.memory_space<semaphore_mem>>)
          %dma_wait3A_192 = arith.constant 0 : i32
          %dma_wait3A_193 = arith.constant 0 : i32
          %dma_wait3A_194 = tpu.memref_slice %arg2[%while3A_65, %dma_wait3A_192, %dma_wait3A_193] : memref<1250x4x128xi32, #tpu.memory_space<hbm>> -> memref<1x4x128xi32, #tpu.memory_space<hbm>>
          %dma_wait3A_195 = tpu.memref_squeeze %dma_wait3A_194 : memref<1x4x128xi32, #tpu.memory_space<hbm>> -> memref<4x128xi32, #tpu.memory_space<hbm>>
          %dma_wait3A_196 = arith.constant 0 : i32
          %dma_wait3A_197 = arith.constant 0 : i32
          %dma_wait3A_198 = tpu.memref_slice %arg2[%while3A_65, %dma_wait3A_196, %dma_wait3A_197] : memref<1250x4x128xi32, #tpu.memory_space<hbm>> -> memref<1x4x128xi32, #tpu.memory_space<hbm>>
          %dma_wait3A_199 = tpu.memref_squeeze %dma_wait3A_198 : memref<1x4x128xi32, #tpu.memory_space<hbm>> -> memref<4x128xi32, #tpu.memory_space<hbm>>
          tpu.wait_dma2 semaphore(%run_scoped3A : memref<!tpu.dma_semaphore, #tpu.memory_space<semaphore_mem>>) src(%dma_wait3A_199 : memref<4x128xi32, #tpu.memory_space<hbm>>) dst(%arg7 : memref<4x128xi32, #tpu.memory_space<vmem>>)
          tpu.yield
        }) : () -> ()
        %dma_start3A = arith.constant 0 : i32
        %dma_start3A_66 = arith.constant 0 : i32
        %dma_start3A_67 = arith.constant 0 : i32
        %dma_start3A_68 = arith.constant 0 : i32
        %dma_start3A_69 = arith.constant 0 : i32
        %dma_start3A_70 = tpu.memref_slice %arg8[%dma_start3A_66, %dma_start3A_68, %dma_start3A_69] : memref<2x128x128xf32, #tpu.memory_space<vmem>> -> memref<1x128x128xf32, #tpu.memory_space<vmem>>
        %dma_start3A_71 = tpu.memref_squeeze %dma_start3A_70 : memref<1x128x128xf32, #tpu.memory_space<vmem>> -> memref<128x128xf32, #tpu.memory_space<vmem>>
        %dma_start3A_72 = arith.constant 0 : i32
        %dma_start3A_73 = tpu.memref_slice %arg7[%dma_start3A, %dma_start3A_72] : memref<4x128xi32, #tpu.memory_space<vmem>> -> memref<1x128xi32, #tpu.memory_space<vmem>>
        %dma_start3A_74 = tpu.memref_squeeze %dma_start3A_73 : memref<1x128xi32, #tpu.memory_space<vmem>> -> memref<128xi32, #tpu.memory_space<vmem>>
        %dma_start3A_75 = arith.constant 0 : i32
        %dma_start3A_76 = arith.constant 0 : i32
        %dma_start3A_77 = tpu.memref_slice %arg4[%dma_start3A_75, %dma_start3A_76] : memref<10000x128xf32, #tpu.memory_space<hbm>> -> memref<10000x128xf32, #tpu.memory_space<hbm>>
        %dma_start3A_78 = tpu.memref_slice %arg10[%dma_start3A_67] : memref<2x!tpu.dma_semaphore, #tpu.memory_space<semaphore_mem>> -> memref<1x!tpu.dma_semaphore, #tpu.memory_space<semaphore_mem>>
        %dma_start3A_79 = tpu.memref_squeeze %dma_start3A_78 : memref<1x!tpu.dma_semaphore, #tpu.memory_space<semaphore_mem>> -> memref<!tpu.dma_semaphore, #tpu.memory_space<semaphore_mem>>
        tpu.enqueue_indirect_dma source(%dma_start3A_77 : memref<10000x128xf32, #tpu.memory_space<hbm>>) target(%dma_start3A_71 : memref<128x128xf32, #tpu.memory_space<vmem>>) offsets(%dma_start3A_74 : memref<128xi32, #tpu.memory_space<vmem>>) semaphore(%dma_start3A_79 : memref<!tpu.dma_semaphore, #tpu.memory_space<semaphore_mem>>)
        %dma_start3A_80 = arith.constant 1 : i32
        %dma_start3A_81 = arith.constant 1 : i32
        %dma_start3A_82 = arith.constant 1 : i32
        %dma_start3A_83 = arith.constant 0 : i32
        %dma_start3A_84 = arith.constant 0 : i32
        %dma_start3A_85 = tpu.memref_slice %arg8[%dma_start3A_81, %dma_start3A_83, %dma_start3A_84] : memref<2x128x128xf32, #tpu.memory_space<vmem>> -> memref<1x128x128xf32, #tpu.memory_space<vmem>>
        %dma_start3A_86 = tpu.memref_squeeze %dma_start3A_85 : memref<1x128x128xf32, #tpu.memory_space<vmem>> -> memref<128x128xf32, #tpu.memory_space<vmem>>
        %dma_start3A_87 = arith.constant 0 : i32
        %dma_start3A_88 = tpu.memref_slice %arg7[%dma_start3A_80, %dma_start3A_87] : memref<4x128xi32, #tpu.memory_space<vmem>> -> memref<1x128xi32, #tpu.memory_space<vmem>>
        %dma_start3A_89 = tpu.memref_squeeze %dma_start3A_88 : memref<1x128xi32, #tpu.memory_space<vmem>> -> memref<128xi32, #tpu.memory_space<vmem>>
        %dma_start3A_90 = arith.constant 0 : i32
        %dma_start3A_91 = arith.constant 0 : i32
        %dma_start3A_92 = tpu.memref_slice %arg4[%dma_start3A_90, %dma_start3A_91] : memref<10000x128xf32, #tpu.memory_space<hbm>> -> memref<10000x128xf32, #tpu.memory_space<hbm>>
        %dma_start3A_93 = tpu.memref_slice %arg10[%dma_start3A_82] : memref<2x!tpu.dma_semaphore, #tpu.memory_space<semaphore_mem>> -> memref<1x!tpu.dma_semaphore, #tpu.memory_space<semaphore_mem>>
        %dma_start3A_94 = tpu.memref_squeeze %dma_start3A_93 : memref<1x!tpu.dma_semaphore, #tpu.memory_space<semaphore_mem>> -> memref<!tpu.dma_semaphore, #tpu.memory_space<semaphore_mem>>
        tpu.enqueue_indirect_dma source(%dma_start3A_92 : memref<10000x128xf32, #tpu.memory_space<hbm>>) target(%dma_start3A_86 : memref<128x128xf32, #tpu.memory_space<vmem>>) offsets(%dma_start3A_89 : memref<128xi32, #tpu.memory_space<vmem>>) semaphore(%dma_start3A_94 : memref<!tpu.dma_semaphore, #tpu.memory_space<semaphore_mem>>)
        %dma_wait3A = arith.constant 0 : i32
        %dma_wait3A_95 = arith.constant 0 : i32
        %dma_wait3A_96 = arith.constant 0 : i32
        %dma_wait3A_97 = arith.constant 0 : i32
        %dma_wait3A_98 = arith.constant 0 : i32
        %dma_wait3A_99 = tpu.memref_slice %arg8[%dma_wait3A_95, %dma_wait3A_97, %dma_wait3A_98] : memref<2x128x128xf32, #tpu.memory_space<vmem>> -> memref<1x128x128xf32, #tpu.memory_space<vmem>>
        %dma_wait3A_100 = tpu.memref_squeeze %dma_wait3A_99 : memref<1x128x128xf32, #tpu.memory_space<vmem>> -> memref<128x128xf32, #tpu.memory_space<vmem>>
        %dma_wait3A_101 = arith.constant 0 : i32
        %dma_wait3A_102 = tpu.memref_slice %arg7[%dma_wait3A, %dma_wait3A_101] : memref<4x128xi32, #tpu.memory_space<vmem>> -> memref<1x128xi32, #tpu.memory_space<vmem>>
        %dma_wait3A_103 = tpu.memref_squeeze %dma_wait3A_102 : memref<1x128xi32, #tpu.memory_space<vmem>> -> memref<128xi32, #tpu.memory_space<vmem>>
        %dma_wait3A_104 = arith.constant 0 : i32
        %dma_wait3A_105 = arith.constant 0 : i32
        %dma_wait3A_106 = tpu.memref_slice %arg4[%dma_wait3A_104, %dma_wait3A_105] : memref<10000x128xf32, #tpu.memory_space<hbm>> -> memref<10000x128xf32, #tpu.memory_space<hbm>>
        %dma_wait3A_107 = tpu.memref_slice %arg10[%dma_wait3A_96] : memref<2x!tpu.dma_semaphore, #tpu.memory_space<semaphore_mem>> -> memref<1x!tpu.dma_semaphore, #tpu.memory_space<semaphore_mem>>
        %dma_wait3A_108 = tpu.memref_squeeze %dma_wait3A_107 : memref<1x!tpu.dma_semaphore, #tpu.memory_space<semaphore_mem>> -> memref<!tpu.dma_semaphore, #tpu.memory_space<semaphore_mem>>
        tpu.wait_indirect_dma semaphore(%dma_wait3A_108 : memref<!tpu.dma_semaphore, #tpu.memory_space<semaphore_mem>>) src(%dma_wait3A_106 : memref<10000x128xf32, #tpu.memory_space<hbm>>) dst(%dma_wait3A_100 : memref<128x128xf32, #tpu.memory_space<vmem>>)
        %dma_start3A_109 = arith.constant 0 : i32
        %dma_start3A_110 = arith.constant 2 : i32
        %dma_start3A_111 = arith.constant 0 : i32
        %dma_start3A_112 = arith.constant 0 : i32
        %dma_start3A_113 = arith.constant 0 : i32
        %dma_start3A_114 = tpu.memref_slice %arg8[%dma_start3A_109, %dma_start3A_112, %dma_start3A_113] : memref<2x128x128xf32, #tpu.memory_space<vmem>> -> memref<1x128x128xf32, #tpu.memory_space<vmem>>
        %dma_start3A_115 = tpu.memref_squeeze %dma_start3A_114 : memref<1x128x128xf32, #tpu.memory_space<vmem>> -> memref<128x128xf32, #tpu.memory_space<vmem>>
        %dma_start3A_116 = arith.constant 0 : i32
        %dma_start3A_117 = tpu.memref_slice %arg7[%dma_start3A_110, %dma_start3A_116] : memref<4x128xi32, #tpu.memory_space<vmem>> -> memref<1x128xi32, #tpu.memory_space<vmem>>
        %dma_start3A_118 = tpu.memref_squeeze %dma_start3A_117 : memref<1x128xi32, #tpu.memory_space<vmem>> -> memref<128xi32, #tpu.memory_space<vmem>>
        %dma_start3A_119 = arith.constant 0 : i32
        %dma_start3A_120 = arith.constant 0 : i32
        %dma_start3A_121 = tpu.memref_slice %arg9[%dma_start3A_119, %dma_start3A_120] : memref<10240x128xf32, #tpu.memory_space<vmem_shared>> -> memref<10240x128xf32, #tpu.memory_space<vmem_shared>>
        %dma_start3A_122 = tpu.memref_slice %arg11[%dma_start3A_111] : memref<2x!tpu.dma_semaphore, #tpu.memory_space<semaphore_mem>> -> memref<1x!tpu.dma_semaphore, #tpu.memory_space<semaphore_mem>>
        %dma_start3A_123 = tpu.memref_squeeze %dma_start3A_122 : memref<1x!tpu.dma_semaphore, #tpu.memory_space<semaphore_mem>> -> memref<!tpu.dma_semaphore, #tpu.memory_space<semaphore_mem>>
        tpu.enqueue_indirect_dma source(%dma_start3A_115 : memref<128x128xf32, #tpu.memory_space<vmem>>) target(%dma_start3A_121 : memref<10240x128xf32, #tpu.memory_space<vmem_shared>>) offsets(%dma_start3A_118 : memref<128xi32, #tpu.memory_space<vmem>>) semaphore(%dma_start3A_123 : memref<!tpu.dma_semaphore, #tpu.memory_space<semaphore_mem>>) {add = true}
        %dma_wait3A_124 = arith.constant 1 : i32
        %dma_wait3A_125 = arith.constant 1 : i32
        %dma_wait3A_126 = arith.constant 1 : i32
        %dma_wait3A_127 = arith.constant 0 : i32
        %dma_wait3A_128 = arith.constant 0 : i32
        %dma_wait3A_129 = tpu.memref_slice %arg8[%dma_wait3A_125, %dma_wait3A_127, %dma_wait3A_128] : memref<2x128x128xf32, #tpu.memory_space<vmem>> -> memref<1x128x128xf32, #tpu.memory_space<vmem>>
        %dma_wait3A_130 = tpu.memref_squeeze %dma_wait3A_129 : memref<1x128x128xf32, #tpu.memory_space<vmem>> -> memref<128x128xf32, #tpu.memory_space<vmem>>
        %dma_wait3A_131 = arith.constant 0 : i32
        %dma_wait3A_132 = tpu.memref_slice %arg7[%dma_wait3A_124, %dma_wait3A_131] : memref<4x128xi32, #tpu.memory_space<vmem>> -> memref<1x128xi32, #tpu.memory_space<vmem>>
        %dma_wait3A_133 = tpu.memref_squeeze %dma_wait3A_132 : memref<1x128xi32, #tpu.memory_space<vmem>> -> memref<128xi32, #tpu.memory_space<vmem>>
        %dma_wait3A_134 = arith.constant 0 : i32
        %dma_wait3A_135 = arith.constant 0 : i32
        %dma_wait3A_136 = tpu.memref_slice %arg4[%dma_wait3A_134, %dma_wait3A_135] : memref<10000x128xf32, #tpu.memory_space<hbm>> -> memref<10000x128xf32, #tpu.memory_space<hbm>>
        %dma_wait3A_137 = tpu.memref_slice %arg10[%dma_wait3A_126] : memref<2x!tpu.dma_semaphore, #tpu.memory_space<semaphore_mem>> -> memref<1x!tpu.dma_semaphore, #tpu.memory_space<semaphore_mem>>
        %dma_wait3A_138 = tpu.memref_squeeze %dma_wait3A_137 : memref<1x!tpu.dma_semaphore, #tpu.memory_space<semaphore_mem>> -> memref<!tpu.dma_semaphore, #tpu.memory_space<semaphore_mem>>
        tpu.wait_indirect_dma semaphore(%dma_wait3A_138 : memref<!tpu.dma_semaphore, #tpu.memory_space<semaphore_mem>>) src(%dma_wait3A_136 : memref<10000x128xf32, #tpu.memory_space<hbm>>) dst(%dma_wait3A_130 : memref<128x128xf32, #tpu.memory_space<vmem>>)
        %dma_start3A_139 = arith.constant 1 : i32
        %dma_start3A_140 = arith.constant 3 : i32
        %dma_start3A_141 = arith.constant 1 : i32
        %dma_start3A_142 = arith.constant 0 : i32
        %dma_start3A_143 = arith.constant 0 : i32
        %dma_start3A_144 = tpu.memref_slice %arg8[%dma_start3A_139, %dma_start3A_142, %dma_start3A_143] : memref<2x128x128xf32, #tpu.memory_space<vmem>> -> memref<1x128x128xf32, #tpu.memory_space<vmem>>
        %dma_start3A_145 = tpu.memref_squeeze %dma_start3A_144 : memref<1x128x128xf32, #tpu.memory_space<vmem>> -> memref<128x128xf32, #tpu.memory_space<vmem>>
        %dma_start3A_146 = arith.constant 0 : i32
        %dma_start3A_147 = tpu.memref_slice %arg7[%dma_start3A_140, %dma_start3A_146] : memref<4x128xi32, #tpu.memory_space<vmem>> -> memref<1x128xi32, #tpu.memory_space<vmem>>
        %dma_start3A_148 = tpu.memref_squeeze %dma_start3A_147 : memref<1x128xi32, #tpu.memory_space<vmem>> -> memref<128xi32, #tpu.memory_space<vmem>>
        %dma_start3A_149 = arith.constant 0 : i32
        %dma_start3A_150 = arith.constant 0 : i32
        %dma_start3A_151 = tpu.memref_slice %arg9[%dma_start3A_149, %dma_start3A_150] : memref<10240x128xf32, #tpu.memory_space<vmem_shared>> -> memref<10240x128xf32, #tpu.memory_space<vmem_shared>>
        %dma_start3A_152 = tpu.memref_slice %arg11[%dma_start3A_141] : memref<2x!tpu.dma_semaphore, #tpu.memory_space<semaphore_mem>> -> memref<1x!tpu.dma_semaphore, #tpu.memory_space<semaphore_mem>>
        %dma_start3A_153 = tpu.memref_squeeze %dma_start3A_152 : memref<1x!tpu.dma_semaphore, #tpu.memory_space<semaphore_mem>> -> memref<!tpu.dma_semaphore, #tpu.memory_space<semaphore_mem>>
        tpu.enqueue_indirect_dma source(%dma_start3A_145 : memref<128x128xf32, #tpu.memory_space<vmem>>) target(%dma_start3A_151 : memref<10240x128xf32, #tpu.memory_space<vmem_shared>>) offsets(%dma_start3A_148 : memref<128xi32, #tpu.memory_space<vmem>>) semaphore(%dma_start3A_153 : memref<!tpu.dma_semaphore, #tpu.memory_space<semaphore_mem>>) {add = true}
        %dma_wait3A_154 = arith.constant 0 : i32
        %dma_wait3A_155 = arith.constant 2 : i32
        %dma_wait3A_156 = arith.constant 0 : i32
        %dma_wait3A_157 = arith.constant 0 : i32
        %dma_wait3A_158 = arith.constant 0 : i32
        %dma_wait3A_159 = tpu.memref_slice %arg8[%dma_wait3A_154, %dma_wait3A_157, %dma_wait3A_158] : memref<2x128x128xf32, #tpu.memory_space<vmem>> -> memref<1x128x128xf32, #tpu.memory_space<vmem>>
        %dma_wait3A_160 = tpu.memref_squeeze %dma_wait3A_159 : memref<1x128x128xf32, #tpu.memory_space<vmem>> -> memref<128x128xf32, #tpu.memory_space<vmem>>
        %dma_wait3A_161 = arith.constant 0 : i32
        %dma_wait3A_162 = tpu.memref_slice %arg7[%dma_wait3A_155, %dma_wait3A_161] : memref<4x128xi32, #tpu.memory_space<vmem>> -> memref<1x128xi32, #tpu.memory_space<vmem>>
        %dma_wait3A_163 = tpu.memref_squeeze %dma_wait3A_162 : memref<1x128xi32, #tpu.memory_space<vmem>> -> memref<128xi32, #tpu.memory_space<vmem>>
        %dma_wait3A_164 = arith.constant 0 : i32
        %dma_wait3A_165 = arith.constant 0 : i32
        %dma_wait3A_166 = tpu.memref_slice %arg9[%dma_wait3A_164, %dma_wait3A_165] : memref<10240x128xf32, #tpu.memory_space<vmem_shared>> -> memref<10240x128xf32, #tpu.memory_space<vmem_shared>>
        %dma_wait3A_167 = tpu.memref_slice %arg11[%dma_wait3A_156] : memref<2x!tpu.dma_semaphore, #tpu.memory_space<semaphore_mem>> -> memref<1x!tpu.dma_semaphore, #tpu.memory_space<semaphore_mem>>
        %dma_wait3A_168 = tpu.memref_squeeze %dma_wait3A_167 : memref<1x!tpu.dma_semaphore, #tpu.memory_space<semaphore_mem>> -> memref<!tpu.dma_semaphore, #tpu.memory_space<semaphore_mem>>
        tpu.wait_indirect_dma semaphore(%dma_wait3A_168 : memref<!tpu.dma_semaphore, #tpu.memory_space<semaphore_mem>>) src(%dma_wait3A_160 : memref<128x128xf32, #tpu.memory_space<vmem>>) dst(%dma_wait3A_166 : memref<10240x128xf32, #tpu.memory_space<vmem_shared>>)
        %dma_wait3A_169 = arith.constant 1 : i32
        %dma_wait3A_170 = arith.constant 3 : i32
        %dma_wait3A_171 = arith.constant 1 : i32
        %dma_wait3A_172 = arith.constant 0 : i32
        %dma_wait3A_173 = arith.constant 0 : i32
        %dma_wait3A_174 = tpu.memref_slice %arg8[%dma_wait3A_169, %dma_wait3A_172, %dma_wait3A_173] : memref<2x128x128xf32, #tpu.memory_space<vmem>> -> memref<1x128x128xf32, #tpu.memory_space<vmem>>
        %dma_wait3A_175 = tpu.memref_squeeze %dma_wait3A_174 : memref<1x128x128xf32, #tpu.memory_space<vmem>> -> memref<128x128xf32, #tpu.memory_space<vmem>>
        %dma_wait3A_176 = arith.constant 0 : i32
        %dma_wait3A_177 = tpu.memref_slice %arg7[%dma_wait3A_170, %dma_wait3A_176] : memref<4x128xi32, #tpu.memory_space<vmem>> -> memref<1x128xi32, #tpu.memory_space<vmem>>
        %dma_wait3A_178 = tpu.memref_squeeze %dma_wait3A_177 : memref<1x128xi32, #tpu.memory_space<vmem>> -> memref<128xi32, #tpu.memory_space<vmem>>
        %dma_wait3A_179 = arith.constant 0 : i32
        %dma_wait3A_180 = arith.constant 0 : i32
        %dma_wait3A_181 = tpu.memref_slice %arg9[%dma_wait3A_179, %dma_wait3A_180] : memref<10240x128xf32, #tpu.memory_space<vmem_shared>> -> memref<10240x128xf32, #tpu.memory_space<vmem_shared>>
        %dma_wait3A_182 = tpu.memref_slice %arg11[%dma_wait3A_171] : memref<2x!tpu.dma_semaphore, #tpu.memory_space<semaphore_mem>> -> memref<1x!tpu.dma_semaphore, #tpu.memory_space<semaphore_mem>>
        %dma_wait3A_183 = tpu.memref_squeeze %dma_wait3A_182 : memref<1x!tpu.dma_semaphore, #tpu.memory_space<semaphore_mem>> -> memref<!tpu.dma_semaphore, #tpu.memory_space<semaphore_mem>>
        tpu.wait_indirect_dma semaphore(%dma_wait3A_183 : memref<!tpu.dma_semaphore, #tpu.memory_space<semaphore_mem>>) src(%dma_wait3A_175 : memref<128x128xf32, #tpu.memory_space<vmem>>) dst(%dma_wait3A_181 : memref<10240x128xf32, #tpu.memory_space<vmem_shared>>)
      }
      %while3A_64 = arith.constant 1 : i32
      scf.for %while3A_65 = %while3A_62 to %while3A_58 step %while3A_64  : i32 {
        "tpu.region"() ({
          %run_scoped3A = tpu.sem_alloc : memref<!tpu.dma_semaphore, #tpu.memory_space<semaphore_mem>>
          %dma_start3A_184 = arith.constant 0 : i32
          %dma_start3A_185 = arith.constant 0 : i32
          %dma_start3A_186 = tpu.memref_slice %arg2[%while3A_65, %dma_start3A_184, %dma_start3A_185] : memref<1250x4x128xi32, #tpu.memory_space<hbm>> -> memref<1x4x128xi32, #tpu.memory_space<hbm>>
          %dma_start3A_187 = tpu.memref_squeeze %dma_start3A_186 : memref<1x4x128xi32, #tpu.memory_space<hbm>> -> memref<4x128xi32, #tpu.memory_space<hbm>>
          %dma_start3A_188 = arith.constant 0 : i32
          %dma_start3A_189 = arith.constant 0 : i32
          %dma_start3A_190 = tpu.memref_slice %arg2[%while3A_65, %dma_start3A_188, %dma_start3A_189] : memref<1250x4x128xi32, #tpu.memory_space<hbm>> -> memref<1x4x128xi32, #tpu.memory_space<hbm>>
          %dma_start3A_191 = tpu.memref_squeeze %dma_start3A_190 : memref<1x4x128xi32, #tpu.memory_space<hbm>> -> memref<4x128xi32, #tpu.memory_space<hbm>>
          tpu.enqueue_dma source(%dma_start3A_191 : memref<4x128xi32, #tpu.memory_space<hbm>>) target(%arg7 : memref<4x128xi32, #tpu.memory_space<vmem>>) target_semaphore(%run_scoped3A : memref<!tpu.dma_semaphore, #tpu.memory_space<semaphore_mem>>)
          %dma_wait3A_192 = arith.constant 0 : i32
          %dma_wait3A_193 = arith.constant 0 : i32
          %dma_wait3A_194 = tpu.memref_slice %arg2[%while3A_65, %dma_wait3A_192, %dma_wait3A_193] : memref<1250x4x128xi32, #tpu.memory_space<hbm>> -> memref<1x4x128xi32, #tpu.memory_space<hbm>>
          %dma_wait3A_195 = tpu.memref_squeeze %dma_wait3A_194 : memref<1x4x128xi32, #tpu.memory_space<hbm>> -> memref<4x128xi32, #tpu.memory_space<hbm>>
          %dma_wait3A_196 = arith.constant 0 : i32
          %dma_wait3A_197 = arith.constant 0 : i32
          %dma_wait3A_198 = tpu.memref_slice %arg2[%while3A_65, %dma_wait3A_196, %dma_wait3A_197] : memref<1250x4x128xi32, #tpu.memory_space<hbm>> -> memref<1x4x128xi32, #tpu.memory_space<hbm>>
          %dma_wait3A_199 = tpu.memref_squeeze %dma_wait3A_198 : memref<1x4x128xi32, #tpu.memory_space<hbm>> -> memref<4x128xi32, #tpu.memory_space<hbm>>
          tpu.wait_dma2 semaphore(%run_scoped3A : memref<!tpu.dma_semaphore, #tpu.memory_space<semaphore_mem>>) src(%dma_wait3A_199 : memref<4x128xi32, #tpu.memory_space<hbm>>) dst(%arg7 : memref<4x128xi32, #tpu.memory_space<vmem>>)
          tpu.yield
        }) : () -> ()
        %dma_start3A = arith.constant 0 : i32
        %dma_start3A_66 = arith.constant 0 : i32
        %dma_start3A_67 = arith.constant 0 : i32
        %dma_start3A_68 = arith.constant 0 : i32
        %dma_start3A_69 = arith.constant 0 : i32
        %dma_start3A_70 = tpu.memref_slice %arg8[%dma_start3A_66, %dma_start3A_68, %dma_start3A_69] : memref<2x128x128xf32, #tpu.memory_space<vmem>> -> memref<1x128x128xf32, #tpu.memory_space<vmem>>
        %dma_start3A_71 = tpu.memref_squeeze %dma_start3A_70 : memref<1x128x128xf32, #tpu.memory_space<vmem>> -> memref<128x128xf32, #tpu.memory_space<vmem>>
        %dma_start3A_72 = arith.constant 0 : i32
        %dma_start3A_73 = tpu.memref_slice %arg7[%dma_start3A, %dma_start3A_72] : memref<4x128xi32, #tpu.memory_space<vmem>> -> memref<1x128xi32, #tpu.memory_space<vmem>>
        %dma_start3A_74 = tpu.memref_squeeze %dma_start3A_73 : memref<1x128xi32, #tpu.memory_space<vmem>> -> memref<128xi32, #tpu.memory_space<vmem>>
        %dma_start3A_75 = arith.constant 0 : i32
        %dma_start3A_76 = arith.constant 0 : i32
        %dma_start3A_77 = tpu.memref_slice %arg4[%dma_start3A_75, %dma_start3A_76] : memref<10000x128xf32, #tpu.memory_space<hbm>> -> memref<10000x128xf32, #tpu.memory_space<hbm>>
        %dma_start3A_78 = tpu.memref_slice %arg10[%dma_start3A_67] : memref<2x!tpu.dma_semaphore, #tpu.memory_space<semaphore_mem>> -> memref<1x!tpu.dma_semaphore, #tpu.memory_space<semaphore_mem>>
        %dma_start3A_79 = tpu.memref_squeeze %dma_start3A_78 : memref<1x!tpu.dma_semaphore, #tpu.memory_space<semaphore_mem>> -> memref<!tpu.dma_semaphore, #tpu.memory_space<semaphore_mem>>
        tpu.enqueue_indirect_dma source(%dma_start3A_77 : memref<10000x128xf32, #tpu.memory_space<hbm>>) target(%dma_start3A_71 : memref<128x128xf32, #tpu.memory_space<vmem>>) offsets(%dma_start3A_74 : memref<128xi32, #tpu.memory_space<vmem>>) semaphore(%dma_start3A_79 : memref<!tpu.dma_semaphore, #tpu.memory_space<semaphore_mem>>)
        %dma_start3A_80 = arith.constant 1 : i32
        %dma_start3A_81 = arith.constant 1 : i32
        %dma_start3A_82 = arith.constant 1 : i32
        %dma_start3A_83 = arith.constant 0 : i32
        %dma_start3A_84 = arith.constant 0 : i32
        %dma_start3A_85 = tpu.memref_slice %arg8[%dma_start3A_81, %dma_start3A_83, %dma_start3A_84] : memref<2x128x128xf32, #tpu.memory_space<vmem>> -> memref<1x128x128xf32, #tpu.memory_space<vmem>>
        %dma_start3A_86 = tpu.memref_squeeze %dma_start3A_85 : memref<1x128x128xf32, #tpu.memory_space<vmem>> -> memref<128x128xf32, #tpu.memory_space<vmem>>
        %dma_start3A_87 = arith.constant 0 : i32
        %dma_start3A_88 = tpu.memref_slice %arg7[%dma_start3A_80, %dma_start3A_87] : memref<4x128xi32, #tpu.memory_space<vmem>> -> memref<1x128xi32, #tpu.memory_space<vmem>>
        %dma_start3A_89 = tpu.memref_squeeze %dma_start3A_88 : memref<1x128xi32, #tpu.memory_space<vmem>> -> memref<128xi32, #tpu.memory_space<vmem>>
        %dma_start3A_90 = arith.constant 0 : i32
        %dma_start3A_91 = arith.constant 0 : i32
        %dma_start3A_92 = tpu.memref_slice %arg4[%dma_start3A_90, %dma_start3A_91] : memref<10000x128xf32, #tpu.memory_space<hbm>> -> memref<10000x128xf32, #tpu.memory_space<hbm>>
        %dma_start3A_93 = tpu.memref_slice %arg10[%dma_start3A_82] : memref<2x!tpu.dma_semaphore, #tpu.memory_space<semaphore_mem>> -> memref<1x!tpu.dma_semaphore, #tpu.memory_space<semaphore_mem>>
        %dma_start3A_94 = tpu.memref_squeeze %dma_start3A_93 : memref<1x!tpu.dma_semaphore, #tpu.memory_space<semaphore_mem>> -> memref<!tpu.dma_semaphore, #tpu.memory_space<semaphore_mem>>
        tpu.enqueue_indirect_dma source(%dma_start3A_92 : memref<10000x128xf32, #tpu.memory_space<hbm>>) target(%dma_start3A_86 : memref<128x128xf32, #tpu.memory_space<vmem>>) offsets(%dma_start3A_89 : memref<128xi32, #tpu.memory_space<vmem>>) semaphore(%dma_start3A_94 : memref<!tpu.dma_semaphore, #tpu.memory_space<semaphore_mem>>)
        %dma_wait3A = arith.constant 0 : i32
        %dma_wait3A_95 = arith.constant 0 : i32
        %dma_wait3A_96 = arith.constant 0 : i32
        %dma_wait3A_97 = arith.constant 0 : i32
        %dma_wait3A_98 = arith.constant 0 : i32
        %dma_wait3A_99 = tpu.memref_slice %arg8[%dma_wait3A_95, %dma_wait3A_97, %dma_wait3A_98] : memref<2x128x128xf32, #tpu.memory_space<vmem>> -> memref<1x128x128xf32, #tpu.memory_space<vmem>>
        %dma_wait3A_100 = tpu.memref_squeeze %dma_wait3A_99 : memref<1x128x128xf32, #tpu.memory_space<vmem>> -> memref<128x128xf32, #tpu.memory_space<vmem>>
        %dma_wait3A_101 = arith.constant 0 : i32
        %dma_wait3A_102 = tpu.memref_slice %arg7[%dma_wait3A, %dma_wait3A_101] : memref<4x128xi32, #tpu.memory_space<vmem>> -> memref<1x128xi32, #tpu.memory_space<vmem>>
        %dma_wait3A_103 = tpu.memref_squeeze %dma_wait3A_102 : memref<1x128xi32, #tpu.memory_space<vmem>> -> memref<128xi32, #tpu.memory_space<vmem>>
        %dma_wait3A_104 = arith.constant 0 : i32
        %dma_wait3A_105 = arith.constant 0 : i32
        %dma_wait3A_106 = tpu.memref_slice %arg4[%dma_wait3A_104, %dma_wait3A_105] : memref<10000x128xf32, #tpu.memory_space<hbm>> -> memref<10000x128xf32, #tpu.memory_space<hbm>>
        %dma_wait3A_107 = tpu.memref_slice %arg10[%dma_wait3A_96] : memref<2x!tpu.dma_semaphore, #tpu.memory_space<semaphore_mem>> -> memref<1x!tpu.dma_semaphore, #tpu.memory_space<semaphore_mem>>
        %dma_wait3A_108 = tpu.memref_squeeze %dma_wait3A_107 : memref<1x!tpu.dma_semaphore, #tpu.memory_space<semaphore_mem>> -> memref<!tpu.dma_semaphore, #tpu.memory_space<semaphore_mem>>
        tpu.wait_indirect_dma semaphore(%dma_wait3A_108 : memref<!tpu.dma_semaphore, #tpu.memory_space<semaphore_mem>>) src(%dma_wait3A_106 : memref<10000x128xf32, #tpu.memory_space<hbm>>) dst(%dma_wait3A_100 : memref<128x128xf32, #tpu.memory_space<vmem>>)
        %dma_start3A_109 = arith.constant 0 : i32
        %dma_start3A_110 = arith.constant 2 : i32
        %dma_start3A_111 = arith.constant 0 : i32
        %dma_start3A_112 = arith.constant 0 : i32
        %dma_start3A_113 = arith.constant 0 : i32
        %dma_start3A_114 = tpu.memref_slice %arg8[%dma_start3A_109, %dma_start3A_112, %dma_start3A_113] : memref<2x128x128xf32, #tpu.memory_space<vmem>> -> memref<1x128x128xf32, #tpu.memory_space<vmem>>
        %dma_start3A_115 = tpu.memref_squeeze %dma_start3A_114 : memref<1x128x128xf32, #tpu.memory_space<vmem>> -> memref<128x128xf32, #tpu.memory_space<vmem>>
        %dma_start3A_116 = arith.constant 0 : i32
        %dma_start3A_117 = tpu.memref_slice %arg7[%dma_start3A_110, %dma_start3A_116] : memref<4x128xi32, #tpu.memory_space<vmem>> -> memref<1x128xi32, #tpu.memory_space<vmem>>
        %dma_start3A_118 = tpu.memref_squeeze %dma_start3A_117 : memref<1x128xi32, #tpu.memory_space<vmem>> -> memref<128xi32, #tpu.memory_space<vmem>>
        %dma_start3A_119 = arith.constant 0 : i32
        %dma_start3A_120 = arith.constant 0 : i32
        %dma_start3A_121 = tpu.memref_slice %arg9[%dma_start3A_119, %dma_start3A_120] : memref<10240x128xf32, #tpu.memory_space<vmem_shared>> -> memref<10240x128xf32, #tpu.memory_space<vmem_shared>>
        %dma_start3A_122 = tpu.memref_slice %arg11[%dma_start3A_111] : memref<2x!tpu.dma_semaphore, #tpu.memory_space<semaphore_mem>> -> memref<1x!tpu.dma_semaphore, #tpu.memory_space<semaphore_mem>>
        %dma_start3A_123 = tpu.memref_squeeze %dma_start3A_122 : memref<1x!tpu.dma_semaphore, #tpu.memory_space<semaphore_mem>> -> memref<!tpu.dma_semaphore, #tpu.memory_space<semaphore_mem>>
        tpu.enqueue_indirect_dma source(%dma_start3A_115 : memref<128x128xf32, #tpu.memory_space<vmem>>) target(%dma_start3A_121 : memref<10240x128xf32, #tpu.memory_space<vmem_shared>>) offsets(%dma_start3A_118 : memref<128xi32, #tpu.memory_space<vmem>>) semaphore(%dma_start3A_123 : memref<!tpu.dma_semaphore, #tpu.memory_space<semaphore_mem>>) {add = true}
        %dma_wait3A_124 = arith.constant 1 : i32
        %dma_wait3A_125 = arith.constant 1 : i32
        %dma_wait3A_126 = arith.constant 1 : i32
        %dma_wait3A_127 = arith.constant 0 : i32
        %dma_wait3A_128 = arith.constant 0 : i32
        %dma_wait3A_129 = tpu.memref_slice %arg8[%dma_wait3A_125, %dma_wait3A_127, %dma_wait3A_128] : memref<2x128x128xf32, #tpu.memory_space<vmem>> -> memref<1x128x128xf32, #tpu.memory_space<vmem>>
        %dma_wait3A_130 = tpu.memref_squeeze %dma_wait3A_129 : memref<1x128x128xf32, #tpu.memory_space<vmem>> -> memref<128x128xf32, #tpu.memory_space<vmem>>
        %dma_wait3A_131 = arith.constant 0 : i32
        %dma_wait3A_132 = tpu.memref_slice %arg7[%dma_wait3A_124, %dma_wait3A_131] : memref<4x128xi32, #tpu.memory_space<vmem>> -> memref<1x128xi32, #tpu.memory_space<vmem>>
        %dma_wait3A_133 = tpu.memref_squeeze %dma_wait3A_132 : memref<1x128xi32, #tpu.memory_space<vmem>> -> memref<128xi32, #tpu.memory_space<vmem>>
        %dma_wait3A_134 = arith.constant 0 : i32
        %dma_wait3A_135 = arith.constant 0 : i32
        %dma_wait3A_136 = tpu.memref_slice %arg4[%dma_wait3A_134, %dma_wait3A_135] : memref<10000x128xf32, #tpu.memory_space<hbm>> -> memref<10000x128xf32, #tpu.memory_space<hbm>>
        %dma_wait3A_137 = tpu.memref_slice %arg10[%dma_wait3A_126] : memref<2x!tpu.dma_semaphore, #tpu.memory_space<semaphore_mem>> -> memref<1x!tpu.dma_semaphore, #tpu.memory_space<semaphore_mem>>
        %dma_wait3A_138 = tpu.memref_squeeze %dma_wait3A_137 : memref<1x!tpu.dma_semaphore, #tpu.memory_space<semaphore_mem>> -> memref<!tpu.dma_semaphore, #tpu.memory_space<semaphore_mem>>
        tpu.wait_indirect_dma semaphore(%dma_wait3A_138 : memref<!tpu.dma_semaphore, #tpu.memory_space<semaphore_mem>>) src(%dma_wait3A_136 : memref<10000x128xf32, #tpu.memory_space<hbm>>) dst(%dma_wait3A_130 : memref<128x128xf32, #tpu.memory_space<vmem>>)
        %dma_start3A_139 = arith.constant 1 : i32
        %dma_start3A_140 = arith.constant 3 : i32
        %dma_start3A_141 = arith.constant 1 : i32
        %dma_start3A_142 = arith.constant 0 : i32
        %dma_start3A_143 = arith.constant 0 : i32
        %dma_start3A_144 = tpu.memref_slice %arg8[%dma_start3A_139, %dma_start3A_142, %dma_start3A_143] : memref<2x128x128xf32, #tpu.memory_space<vmem>> -> memref<1x128x128xf32, #tpu.memory_space<vmem>>
        %dma_start3A_145 = tpu.memref_squeeze %dma_start3A_144 : memref<1x128x128xf32, #tpu.memory_space<vmem>> -> memref<128x128xf32, #tpu.memory_space<vmem>>
        %dma_start3A_146 = arith.constant 0 : i32
        %dma_start3A_147 = tpu.memref_slice %arg7[%dma_start3A_140, %dma_start3A_146] : memref<4x128xi32, #tpu.memory_space<vmem>> -> memref<1x128xi32, #tpu.memory_space<vmem>>
        %dma_start3A_148 = tpu.memref_squeeze %dma_start3A_147 : memref<1x128xi32, #tpu.memory_space<vmem>> -> memref<128xi32, #tpu.memory_space<vmem>>
        %dma_start3A_149 = arith.constant 0 : i32
        %dma_start3A_150 = arith.constant 0 : i32
        %dma_start3A_151 = tpu.memref_slice %arg9[%dma_start3A_149, %dma_start3A_150] : memref<10240x128xf32, #tpu.memory_space<vmem_shared>> -> memref<10240x128xf32, #tpu.memory_space<vmem_shared>>
        %dma_start3A_152 = tpu.memref_slice %arg11[%dma_start3A_141] : memref<2x!tpu.dma_semaphore, #tpu.memory_space<semaphore_mem>> -> memref<1x!tpu.dma_semaphore, #tpu.memory_space<semaphore_mem>>
        %dma_start3A_153 = tpu.memref_squeeze %dma_start3A_152 : memref<1x!tpu.dma_semaphore, #tpu.memory_space<semaphore_mem>> -> memref<!tpu.dma_semaphore, #tpu.memory_space<semaphore_mem>>
        tpu.enqueue_indirect_dma source(%dma_start3A_145 : memref<128x128xf32, #tpu.memory_space<vmem>>) target(%dma_start3A_151 : memref<10240x128xf32, #tpu.memory_space<vmem_shared>>) offsets(%dma_start3A_148 : memref<128xi32, #tpu.memory_space<vmem>>) semaphore(%dma_start3A_153 : memref<!tpu.dma_semaphore, #tpu.memory_space<semaphore_mem>>) {add = true}
        %dma_wait3A_154 = arith.constant 0 : i32
        %dma_wait3A_155 = arith.constant 2 : i32
        %dma_wait3A_156 = arith.constant 0 : i32
        %dma_wait3A_157 = arith.constant 0 : i32
        %dma_wait3A_158 = arith.constant 0 : i32
        %dma_wait3A_159 = tpu.memref_slice %arg8[%dma_wait3A_154, %dma_wait3A_157, %dma_wait3A_158] : memref<2x128x128xf32, #tpu.memory_space<vmem>> -> memref<1x128x128xf32, #tpu.memory_space<vmem>>
        %dma_wait3A_160 = tpu.memref_squeeze %dma_wait3A_159 : memref<1x128x128xf32, #tpu.memory_space<vmem>> -> memref<128x128xf32, #tpu.memory_space<vmem>>
        %dma_wait3A_161 = arith.constant 0 : i32
        %dma_wait3A_162 = tpu.memref_slice %arg7[%dma_wait3A_155, %dma_wait3A_161] : memref<4x128xi32, #tpu.memory_space<vmem>> -> memref<1x128xi32, #tpu.memory_space<vmem>>
        %dma_wait3A_163 = tpu.memref_squeeze %dma_wait3A_162 : memref<1x128xi32, #tpu.memory_space<vmem>> -> memref<128xi32, #tpu.memory_space<vmem>>
        %dma_wait3A_164 = arith.constant 0 : i32
        %dma_wait3A_165 = arith.constant 0 : i32
        %dma_wait3A_166 = tpu.memref_slice %arg9[%dma_wait3A_164, %dma_wait3A_165] : memref<10240x128xf32, #tpu.memory_space<vmem_shared>> -> memref<10240x128xf32, #tpu.memory_space<vmem_shared>>
        %dma_wait3A_167 = tpu.memref_slice %arg11[%dma_wait3A_156] : memref<2x!tpu.dma_semaphore, #tpu.memory_space<semaphore_mem>> -> memref<1x!tpu.dma_semaphore, #tpu.memory_space<semaphore_mem>>
        %dma_wait3A_168 = tpu.memref_squeeze %dma_wait3A_167 : memref<1x!tpu.dma_semaphore, #tpu.memory_space<semaphore_mem>> -> memref<!tpu.dma_semaphore, #tpu.memory_space<semaphore_mem>>
        tpu.wait_indirect_dma semaphore(%dma_wait3A_168 : memref<!tpu.dma_semaphore, #tpu.memory_space<semaphore_mem>>) src(%dma_wait3A_160 : memref<128x128xf32, #tpu.memory_space<vmem>>) dst(%dma_wait3A_166 : memref<10240x128xf32, #tpu.memory_space<vmem_shared>>)
        %dma_wait3A_169 = arith.constant 1 : i32
        %dma_wait3A_170 = arith.constant 3 : i32
        %dma_wait3A_171 = arith.constant 1 : i32
        %dma_wait3A_172 = arith.constant 0 : i32
        %dma_wait3A_173 = arith.constant 0 : i32
        %dma_wait3A_174 = tpu.memref_slice %arg8[%dma_wait3A_169, %dma_wait3A_172, %dma_wait3A_173] : memref<2x128x128xf32, #tpu.memory_space<vmem>> -> memref<1x128x128xf32, #tpu.memory_space<vmem>>
        %dma_wait3A_175 = tpu.memref_squeeze %dma_wait3A_174 : memref<1x128x128xf32, #tpu.memory_space<vmem>> -> memref<128x128xf32, #tpu.memory_space<vmem>>
        %dma_wait3A_176 = arith.constant 0 : i32
        %dma_wait3A_177 = tpu.memref_slice %arg7[%dma_wait3A_170, %dma_wait3A_176] : memref<4x128xi32, #tpu.memory_space<vmem>> -> memref<1x128xi32, #tpu.memory_space<vmem>>
        %dma_wait3A_178 = tpu.memref_squeeze %dma_wait3A_177 : memref<1x128xi32, #tpu.memory_space<vmem>> -> memref<128xi32, #tpu.memory_space<vmem>>
        %dma_wait3A_179 = arith.constant 0 : i32
        %dma_wait3A_180 = arith.constant 0 : i32
        %dma_wait3A_181 = tpu.memref_slice %arg9[%dma_wait3A_179, %dma_wait3A_180] : memref<10240x128xf32, #tpu.memory_space<vmem_shared>> -> memref<10240x128xf32, #tpu.memory_space<vmem_shared>>
        %dma_wait3A_182 = tpu.memref_slice %arg11[%dma_wait3A_171] : memref<2x!tpu.dma_semaphore, #tpu.memory_space<semaphore_mem>> -> memref<1x!tpu.dma_semaphore, #tpu.memory_space<semaphore_mem>>
        %dma_wait3A_183 = tpu.memref_squeeze %dma_wait3A_182 : memref<1x!tpu.dma_semaphore, #tpu.memory_space<semaphore_mem>> -> memref<!tpu.dma_semaphore, #tpu.memory_space<semaphore_mem>>
        tpu.wait_indirect_dma semaphore(%dma_wait3A_183 : memref<!tpu.dma_semaphore, #tpu.memory_space<semaphore_mem>>) src(%dma_wait3A_175 : memref<128x128xf32, #tpu.memory_space<vmem>>) dst(%dma_wait3A_181 : memref<10240x128xf32, #tpu.memory_space<vmem_shared>>)
      }
    } else {
    }
    %barrier3A_53 = arith.constant 0 : index
    tpu.barrier barrier_id(%barrier3A_53)
    %mul3A_54 = arith.constant 640 : i32
    %mul3A_55 = arith.muli %arg1, %mul3A_54 : i32
    "tpu.region"() ({
      %run_scoped3A = tpu.sem_alloc : memref<!tpu.dma_semaphore, #tpu.memory_space<semaphore_mem>>
      %dma_start3A = arith.constant 0 : i32
      %dma_start3A_56 = tpu.memref_slice %arg6[%arg0, %mul3A_55, %dma_start3A] : memref<2x10240x128xf32, #tpu.memory_space<hbm>> -> memref<1x640x128xf32, #tpu.memory_space<hbm>>
      %dma_start3A_57 = tpu.memref_squeeze %dma_start3A_56 : memref<1x640x128xf32, #tpu.memory_space<hbm>> -> memref<640x128xf32, #tpu.memory_space<hbm>>
      %dma_start3A_58 = arith.constant 0 : i32
      %dma_start3A_59 = tpu.memref_slice %arg9[%mul3A_55, %dma_start3A_58] : memref<10240x128xf32, #tpu.memory_space<vmem_shared>> -> memref<640x128xf32, #tpu.memory_space<vmem_shared>>
      tpu.enqueue_dma source(%dma_start3A_59 : memref<640x128xf32, #tpu.memory_space<vmem_shared>>) target(%dma_start3A_57 : memref<640x128xf32, #tpu.memory_space<hbm>>) target_semaphore(%run_scoped3A : memref<!tpu.dma_semaphore, #tpu.memory_space<semaphore_mem>>)
      %dma_wait3A = arith.constant 0 : i32
      %dma_wait3A_60 = tpu.memref_slice %arg6[%arg0, %mul3A_55, %dma_wait3A] : memref<2x10240x128xf32, #tpu.memory_space<hbm>> -> memref<1x640x128xf32, #tpu.memory_space<hbm>>
      %dma_wait3A_61 = tpu.memref_squeeze %dma_wait3A_60 : memref<1x640x128xf32, #tpu.memory_space<hbm>> -> memref<640x128xf32, #tpu.memory_space<hbm>>
      %dma_wait3A_62 = arith.constant 0 : i32
      %dma_wait3A_63 = tpu.memref_slice %arg9[%mul3A_55, %dma_wait3A_62] : memref<10240x128xf32, #tpu.memory_space<vmem_shared>> -> memref<640x128xf32, #tpu.memory_space<vmem_shared>>
      tpu.wait_dma2 semaphore(%run_scoped3A : memref<!tpu.dma_semaphore, #tpu.memory_space<semaphore_mem>>) src(%dma_wait3A_63 : memref<640x128xf32, #tpu.memory_space<vmem_shared>>) dst(%dma_wait3A_61 : memref<640x128xf32, #tpu.memory_space<hbm>>)
      tpu.yield
    }) : () -> ()
    return
  }
}

#map = affine_map<(d0, d1) -> (0, 0, 0)>
#map1 = affine_map<(d0, d1) -> (0, 0)>
#map2 = affine_map<(d0, d1) -> (0)>
module attributes {stable_mosaic.version = 14 : i64} {
  func.func @_sc_agg1_body(%arg0: i32, %arg1: i32, %arg2: memref<1250x4x128xi32, #tpu.memory_space<hbm>>, %arg3: memref<10000x128xf32, #tpu.memory_space<hbm>>, %arg4: memref<10240x128xf32, #tpu.memory_space<hbm>>, %arg5: memref<10240xf32, #tpu.memory_space<hbm>>, %arg6: memref<2x10240x128xf32, #tpu.memory_space<hbm>>, %arg7: memref<32x10240xf32, #tpu.memory_space<hbm>>, %arg8: memref<4x128xi32, #tpu.memory_space<vmem>>, %arg9: memref<2x128x128xf32, #tpu.memory_space<vmem>>, %arg10: memref<10240xf32, #tpu.memory_space<vmem>>, %arg11: memref<10240x128xf32, #tpu.memory_space<vmem_shared>>, %arg12: memref<2x!tpu.dma_semaphore, #tpu.memory_space<semaphore_mem>>, %arg13: memref<2x!tpu.dma_semaphore, #tpu.memory_space<semaphore_mem>>) attributes {dimension_semantics = [#tpu.dimension_semantics<core_parallel>, #tpu.dimension_semantics<subcore_parallel>], iteration_bounds = array<i64: 2, 16>, scalar_prefetch = 0 : i64, scratch_operands = 6 : i64, tpu.core_type = #tpu.core_type<sc_vector_subcore>, window_params = [{transform_indices = #map}, {transform_indices = #map1}, {transform_indices = #map1}, {transform_indices = #map2}, {transform_indices = #map}, {transform_indices = #map1}]} {
    "tpu.region"() ({
      %run_scoped3A = tpu.sem_alloc : memref<!tpu.dma_semaphore, #tpu.memory_space<semaphore_mem>>
      tpu.enqueue_dma source(%arg5 : memref<10240xf32, #tpu.memory_space<hbm>>) target(%arg10 : memref<10240xf32, #tpu.memory_space<vmem>>) target_semaphore(%run_scoped3A : memref<!tpu.dma_semaphore, #tpu.memory_space<semaphore_mem>>)
      tpu.wait_dma2 semaphore(%run_scoped3A : memref<!tpu.dma_semaphore, #tpu.memory_space<semaphore_mem>>) src(%arg5 : memref<10240xf32, #tpu.memory_space<hbm>>) dst(%arg10 : memref<10240xf32, #tpu.memory_space<vmem>>)
      tpu.yield
    }) : () -> ()
    %mul3A = arith.constant 640 : i32
    %mul3A_0 = arith.muli %arg1, %mul3A : i32
    "tpu.region"() ({
      %run_scoped3A = tpu.sem_alloc : memref<!tpu.dma_semaphore, #tpu.memory_space<semaphore_mem>>
      %dma_start3A = arith.constant 0 : i32
      %dma_start3A_64 = tpu.memref_slice %arg11[%mul3A_0, %dma_start3A] : memref<10240x128xf32, #tpu.memory_space<vmem_shared>> -> memref<640x128xf32, #tpu.memory_space<vmem_shared>>
      %dma_start3A_65 = arith.constant 0 : i32
      %dma_start3A_66 = tpu.memref_slice %arg4[%mul3A_0, %dma_start3A_65] : memref<10240x128xf32, #tpu.memory_space<hbm>> -> memref<640x128xf32, #tpu.memory_space<hbm>>
      tpu.enqueue_dma source(%dma_start3A_66 : memref<640x128xf32, #tpu.memory_space<hbm>>) target(%dma_start3A_64 : memref<640x128xf32, #tpu.memory_space<vmem_shared>>) target_semaphore(%run_scoped3A : memref<!tpu.dma_semaphore, #tpu.memory_space<semaphore_mem>>)
      %dma_wait3A = arith.constant 0 : i32
      %dma_wait3A_67 = tpu.memref_slice %arg11[%mul3A_0, %dma_wait3A] : memref<10240x128xf32, #tpu.memory_space<vmem_shared>> -> memref<640x128xf32, #tpu.memory_space<vmem_shared>>
      %dma_wait3A_68 = arith.constant 0 : i32
      %dma_wait3A_69 = tpu.memref_slice %arg4[%mul3A_0, %dma_wait3A_68] : memref<10240x128xf32, #tpu.memory_space<hbm>> -> memref<640x128xf32, #tpu.memory_space<hbm>>
      tpu.wait_dma2 semaphore(%run_scoped3A : memref<!tpu.dma_semaphore, #tpu.memory_space<semaphore_mem>>) src(%dma_wait3A_69 : memref<640x128xf32, #tpu.memory_space<hbm>>) dst(%dma_wait3A_67 : memref<640x128xf32, #tpu.memory_space<vmem_shared>>)
      tpu.yield
    }) : () -> ()
    %barrier3A = arith.constant 0 : index
    tpu.barrier barrier_id(%barrier3A)
    %mul3A_1 = arith.constant 16 : i32
    %mul3A_2 = arith.muli %arg0, %mul3A_1 : i32
    %add3A = arith.addi %mul3A_2, %arg1 : i32
    %mul3A_3 = arith.constant 1250 : i32
    %mul3A_4 = arith.muli %add3A, %mul3A_3 : i32
    %jit3A = arith.constant 32 : i32
    %div3A = arith.divsi %mul3A_4, %jit3A : i32
    %sign3A = arith.constant 0 : i32
    %sign3A_5 = arith.cmpi sgt, %mul3A_4, %sign3A : i32
    %sign3A_6 = arith.extui %sign3A_5 : i1 to i32
    %sign3A_7 = arith.constant 0 : i32
    %sign3A_8 = arith.cmpi slt, %mul3A_4, %sign3A_7 : i32
    %sign3A_9 = arith.extui %sign3A_8 : i1 to i32
    %sign3A_10 = arith.subi %sign3A_6, %sign3A_9 : i32
    %sign3A_11 = arith.constant 0 : i32
    %sign3A_12 = arith.cmpi sgt, %jit3A, %sign3A_11 : i32
    %sign3A_13 = arith.extui %sign3A_12 : i1 to i32
    %sign3A_14 = arith.constant 0 : i32
    %sign3A_15 = arith.cmpi slt, %jit3A, %sign3A_14 : i32
    %sign3A_16 = arith.extui %sign3A_15 : i1 to i32
    %sign3A_17 = arith.subi %sign3A_13, %sign3A_16 : i32
    %ne3A = arith.cmpi ne, %sign3A_10, %sign3A_17 : i32
    %rem3A = arith.remsi %mul3A_4, %jit3A : i32
    %ne3A_18 = arith.constant 0 : i32
    %ne3A_19 = arith.cmpi ne, %rem3A, %ne3A_18 : i32
    %and3A = arith.andi %ne3A, %ne3A_19 : i1
    %sub3A = arith.constant 1 : i32
    %sub3A_20 = arith.subi %div3A, %sub3A : i32
    %select_n3A = arith.select %and3A, %sub3A_20, %div3A : i32
    %add3A_21 = arith.constant 1 : i32
    %add3A_22 = arith.addi %add3A, %add3A_21 : i32
    %mul3A_23 = arith.constant 1250 : i32
    %mul3A_24 = arith.muli %add3A_22, %mul3A_23 : i32
    %jit3A_25 = arith.constant 32 : i32
    %div3A_26 = arith.divsi %mul3A_24, %jit3A_25 : i32
    %sign3A_27 = arith.constant 0 : i32
    %sign3A_28 = arith.cmpi sgt, %mul3A_24, %sign3A_27 : i32
    %sign3A_29 = arith.extui %sign3A_28 : i1 to i32
    %sign3A_30 = arith.constant 0 : i32
    %sign3A_31 = arith.cmpi slt, %mul3A_24, %sign3A_30 : i32
    %sign3A_32 = arith.extui %sign3A_31 : i1 to i32
    %sign3A_33 = arith.subi %sign3A_29, %sign3A_32 : i32
    %sign3A_34 = arith.constant 0 : i32
    %sign3A_35 = arith.cmpi sgt, %jit3A_25, %sign3A_34 : i32
    %sign3A_36 = arith.extui %sign3A_35 : i1 to i32
    %sign3A_37 = arith.constant 0 : i32
    %sign3A_38 = arith.cmpi slt, %jit3A_25, %sign3A_37 : i32
    %sign3A_39 = arith.extui %sign3A_38 : i1 to i32
    %sign3A_40 = arith.subi %sign3A_36, %sign3A_39 : i32
    %ne3A_41 = arith.cmpi ne, %sign3A_33, %sign3A_40 : i32
    %rem3A_42 = arith.remsi %mul3A_24, %jit3A_25 : i32
    %ne3A_43 = arith.constant 0 : i32
    %ne3A_44 = arith.cmpi ne, %rem3A_42, %ne3A_43 : i32
    %and3A_45 = arith.andi %ne3A_41, %ne3A_44 : i1
    %sub3A_46 = arith.constant 1 : i32
    %sub3A_47 = arith.subi %div3A_26, %sub3A_46 : i32
    %select_n3A_48 = arith.select %and3A_45, %sub3A_47, %div3A_26 : i32
    %broadcast_in_dim3A = arith.constant 1.000000e+00 : f32
    %broadcast_in_dim3A_49 = vector.broadcast %broadcast_in_dim3A : f32 to vector<16xf32>
    %while3A = arith.constant 0 : i32
    %while3A_50 = arith.subi %select_n3A_48, %select_n3A : i32
    %while3A_51 = arith.addi %select_n3A, %while3A_50 : i32
    %while3A_52 = arith.constant 1 : i32
    %while3A_53 = arith.divsi %while3A_50, %while3A_52 : i32
    %while3A_54 = arith.muli %while3A_53, %while3A_52 : i32
    %while3A_55 = arith.addi %select_n3A, %while3A_54 : i32
    %while3A_56 = arith.constant 1 : i32
    scf.for %while3A_64 = %select_n3A to %while3A_55 step %while3A_56  : i32 {
      "tpu.region"() ({
        %run_scoped3A = tpu.sem_alloc : memref<!tpu.dma_semaphore, #tpu.memory_space<semaphore_mem>>
        %dma_start3A_246 = arith.constant 0 : i32
        %dma_start3A_247 = arith.constant 0 : i32
        %dma_start3A_248 = tpu.memref_slice %arg2[%while3A_64, %dma_start3A_246, %dma_start3A_247] : memref<1250x4x128xi32, #tpu.memory_space<hbm>> -> memref<1x4x128xi32, #tpu.memory_space<hbm>>
        %dma_start3A_249 = tpu.memref_squeeze %dma_start3A_248 : memref<1x4x128xi32, #tpu.memory_space<hbm>> -> memref<4x128xi32, #tpu.memory_space<hbm>>
        %dma_start3A_250 = arith.constant 0 : i32
        %dma_start3A_251 = arith.constant 0 : i32
        %dma_start3A_252 = tpu.memref_slice %arg2[%while3A_64, %dma_start3A_250, %dma_start3A_251] : memref<1250x4x128xi32, #tpu.memory_space<hbm>> -> memref<1x4x128xi32, #tpu.memory_space<hbm>>
        %dma_start3A_253 = tpu.memref_squeeze %dma_start3A_252 : memref<1x4x128xi32, #tpu.memory_space<hbm>> -> memref<4x128xi32, #tpu.memory_space<hbm>>
        tpu.enqueue_dma source(%dma_start3A_253 : memref<4x128xi32, #tpu.memory_space<hbm>>) target(%arg8 : memref<4x128xi32, #tpu.memory_space<vmem>>) target_semaphore(%run_scoped3A : memref<!tpu.dma_semaphore, #tpu.memory_space<semaphore_mem>>)
        %dma_wait3A_254 = arith.constant 0 : i32
        %dma_wait3A_255 = arith.constant 0 : i32
        %dma_wait3A_256 = tpu.memref_slice %arg2[%while3A_64, %dma_wait3A_254, %dma_wait3A_255] : memref<1250x4x128xi32, #tpu.memory_space<hbm>> -> memref<1x4x128xi32, #tpu.memory_space<hbm>>
        %dma_wait3A_257 = tpu.memref_squeeze %dma_wait3A_256 : memref<1x4x128xi32, #tpu.memory_space<hbm>> -> memref<4x128xi32, #tpu.memory_space<hbm>>
        %dma_wait3A_258 = arith.constant 0 : i32
        %dma_wait3A_259 = arith.constant 0 : i32
        %dma_wait3A_260 = tpu.memref_slice %arg2[%while3A_64, %dma_wait3A_258, %dma_wait3A_259] : memref<1250x4x128xi32, #tpu.memory_space<hbm>> -> memref<1x4x128xi32, #tpu.memory_space<hbm>>
        %dma_wait3A_261 = tpu.memref_squeeze %dma_wait3A_260 : memref<1x4x128xi32, #tpu.memory_space<hbm>> -> memref<4x128xi32, #tpu.memory_space<hbm>>
        tpu.wait_dma2 semaphore(%run_scoped3A : memref<!tpu.dma_semaphore, #tpu.memory_space<semaphore_mem>>) src(%dma_wait3A_261 : memref<4x128xi32, #tpu.memory_space<hbm>>) dst(%arg8 : memref<4x128xi32, #tpu.memory_space<vmem>>)
        tpu.yield
      }) : () -> ()
      %dma_start3A = arith.constant 0 : i32
      %dma_start3A_65 = arith.constant 0 : i32
      %dma_start3A_66 = arith.constant 0 : i32
      %dma_start3A_67 = arith.constant 0 : i32
      %dma_start3A_68 = arith.constant 0 : i32
      %dma_start3A_69 = tpu.memref_slice %arg9[%dma_start3A_65, %dma_start3A_67, %dma_start3A_68] : memref<2x128x128xf32, #tpu.memory_space<vmem>> -> memref<1x128x128xf32, #tpu.memory_space<vmem>>
      %dma_start3A_70 = tpu.memref_squeeze %dma_start3A_69 : memref<1x128x128xf32, #tpu.memory_space<vmem>> -> memref<128x128xf32, #tpu.memory_space<vmem>>
      %dma_start3A_71 = arith.constant 0 : i32
      %dma_start3A_72 = tpu.memref_slice %arg8[%dma_start3A, %dma_start3A_71] : memref<4x128xi32, #tpu.memory_space<vmem>> -> memref<1x128xi32, #tpu.memory_space<vmem>>
      %dma_start3A_73 = tpu.memref_squeeze %dma_start3A_72 : memref<1x128xi32, #tpu.memory_space<vmem>> -> memref<128xi32, #tpu.memory_space<vmem>>
      %dma_start3A_74 = arith.constant 0 : i32
      %dma_start3A_75 = arith.constant 0 : i32
      %dma_start3A_76 = tpu.memref_slice %arg3[%dma_start3A_74, %dma_start3A_75] : memref<10000x128xf32, #tpu.memory_space<hbm>> -> memref<10000x128xf32, #tpu.memory_space<hbm>>
      %dma_start3A_77 = tpu.memref_slice %arg12[%dma_start3A_66] : memref<2x!tpu.dma_semaphore, #tpu.memory_space<semaphore_mem>> -> memref<1x!tpu.dma_semaphore, #tpu.memory_space<semaphore_mem>>
      %dma_start3A_78 = tpu.memref_squeeze %dma_start3A_77 : memref<1x!tpu.dma_semaphore, #tpu.memory_space<semaphore_mem>> -> memref<!tpu.dma_semaphore, #tpu.memory_space<semaphore_mem>>
      tpu.enqueue_indirect_dma source(%dma_start3A_76 : memref<10000x128xf32, #tpu.memory_space<hbm>>) target(%dma_start3A_70 : memref<128x128xf32, #tpu.memory_space<vmem>>) offsets(%dma_start3A_73 : memref<128xi32, #tpu.memory_space<vmem>>) semaphore(%dma_start3A_78 : memref<!tpu.dma_semaphore, #tpu.memory_space<semaphore_mem>>)
      %dma_start3A_79 = arith.constant 1 : i32
      %dma_start3A_80 = arith.constant 1 : i32
      %dma_start3A_81 = arith.constant 1 : i32
      %dma_start3A_82 = arith.constant 0 : i32
      %dma_start3A_83 = arith.constant 0 : i32
      %dma_start3A_84 = tpu.memref_slice %arg9[%dma_start3A_80, %dma_start3A_82, %dma_start3A_83] : memref<2x128x128xf32, #tpu.memory_space<vmem>> -> memref<1x128x128xf32, #tpu.memory_space<vmem>>
      %dma_start3A_85 = tpu.memref_squeeze %dma_start3A_84 : memref<1x128x128xf32, #tpu.memory_space<vmem>> -> memref<128x128xf32, #tpu.memory_space<vmem>>
      %dma_start3A_86 = arith.constant 0 : i32
      %dma_start3A_87 = tpu.memref_slice %arg8[%dma_start3A_79, %dma_start3A_86] : memref<4x128xi32, #tpu.memory_space<vmem>> -> memref<1x128xi32, #tpu.memory_space<vmem>>
      %dma_start3A_88 = tpu.memref_squeeze %dma_start3A_87 : memref<1x128xi32, #tpu.memory_space<vmem>> -> memref<128xi32, #tpu.memory_space<vmem>>
      %dma_start3A_89 = arith.constant 0 : i32
      %dma_start3A_90 = arith.constant 0 : i32
      %dma_start3A_91 = tpu.memref_slice %arg3[%dma_start3A_89, %dma_start3A_90] : memref<10000x128xf32, #tpu.memory_space<hbm>> -> memref<10000x128xf32, #tpu.memory_space<hbm>>
      %dma_start3A_92 = tpu.memref_slice %arg12[%dma_start3A_81] : memref<2x!tpu.dma_semaphore, #tpu.memory_space<semaphore_mem>> -> memref<1x!tpu.dma_semaphore, #tpu.memory_space<semaphore_mem>>
      %dma_start3A_93 = tpu.memref_squeeze %dma_start3A_92 : memref<1x!tpu.dma_semaphore, #tpu.memory_space<semaphore_mem>> -> memref<!tpu.dma_semaphore, #tpu.memory_space<semaphore_mem>>
      tpu.enqueue_indirect_dma source(%dma_start3A_91 : memref<10000x128xf32, #tpu.memory_space<hbm>>) target(%dma_start3A_85 : memref<128x128xf32, #tpu.memory_space<vmem>>) offsets(%dma_start3A_88 : memref<128xi32, #tpu.memory_space<vmem>>) semaphore(%dma_start3A_93 : memref<!tpu.dma_semaphore, #tpu.memory_space<semaphore_mem>>)
      %dma_wait3A = arith.constant 0 : i32
      %dma_wait3A_94 = arith.constant 0 : i32
      %dma_wait3A_95 = arith.constant 0 : i32
      %dma_wait3A_96 = arith.constant 0 : i32
      %dma_wait3A_97 = arith.constant 0 : i32
      %dma_wait3A_98 = tpu.memref_slice %arg9[%dma_wait3A_94, %dma_wait3A_96, %dma_wait3A_97] : memref<2x128x128xf32, #tpu.memory_space<vmem>> -> memref<1x128x128xf32, #tpu.memory_space<vmem>>
      %dma_wait3A_99 = tpu.memref_squeeze %dma_wait3A_98 : memref<1x128x128xf32, #tpu.memory_space<vmem>> -> memref<128x128xf32, #tpu.memory_space<vmem>>
      %dma_wait3A_100 = arith.constant 0 : i32
      %dma_wait3A_101 = tpu.memref_slice %arg8[%dma_wait3A, %dma_wait3A_100] : memref<4x128xi32, #tpu.memory_space<vmem>> -> memref<1x128xi32, #tpu.memory_space<vmem>>
      %dma_wait3A_102 = tpu.memref_squeeze %dma_wait3A_101 : memref<1x128xi32, #tpu.memory_space<vmem>> -> memref<128xi32, #tpu.memory_space<vmem>>
      %dma_wait3A_103 = arith.constant 0 : i32
      %dma_wait3A_104 = arith.constant 0 : i32
      %dma_wait3A_105 = tpu.memref_slice %arg3[%dma_wait3A_103, %dma_wait3A_104] : memref<10000x128xf32, #tpu.memory_space<hbm>> -> memref<10000x128xf32, #tpu.memory_space<hbm>>
      %dma_wait3A_106 = tpu.memref_slice %arg12[%dma_wait3A_95] : memref<2x!tpu.dma_semaphore, #tpu.memory_space<semaphore_mem>> -> memref<1x!tpu.dma_semaphore, #tpu.memory_space<semaphore_mem>>
      %dma_wait3A_107 = tpu.memref_squeeze %dma_wait3A_106 : memref<1x!tpu.dma_semaphore, #tpu.memory_space<semaphore_mem>> -> memref<!tpu.dma_semaphore, #tpu.memory_space<semaphore_mem>>
      tpu.wait_indirect_dma semaphore(%dma_wait3A_107 : memref<!tpu.dma_semaphore, #tpu.memory_space<semaphore_mem>>) src(%dma_wait3A_105 : memref<10000x128xf32, #tpu.memory_space<hbm>>) dst(%dma_wait3A_99 : memref<128x128xf32, #tpu.memory_space<vmem>>)
      %dma_start3A_108 = arith.constant 0 : i32
      %dma_start3A_109 = arith.constant 2 : i32
      %dma_start3A_110 = arith.constant 0 : i32
      %dma_start3A_111 = arith.constant 0 : i32
      %dma_start3A_112 = arith.constant 0 : i32
      %dma_start3A_113 = tpu.memref_slice %arg9[%dma_start3A_108, %dma_start3A_111, %dma_start3A_112] : memref<2x128x128xf32, #tpu.memory_space<vmem>> -> memref<1x128x128xf32, #tpu.memory_space<vmem>>
      %dma_start3A_114 = tpu.memref_squeeze %dma_start3A_113 : memref<1x128x128xf32, #tpu.memory_space<vmem>> -> memref<128x128xf32, #tpu.memory_space<vmem>>
      %dma_start3A_115 = arith.constant 0 : i32
      %dma_start3A_116 = tpu.memref_slice %arg8[%dma_start3A_109, %dma_start3A_115] : memref<4x128xi32, #tpu.memory_space<vmem>> -> memref<1x128xi32, #tpu.memory_space<vmem>>
      %dma_start3A_117 = tpu.memref_squeeze %dma_start3A_116 : memref<1x128xi32, #tpu.memory_space<vmem>> -> memref<128xi32, #tpu.memory_space<vmem>>
      %dma_start3A_118 = arith.constant 0 : i32
      %dma_start3A_119 = arith.constant 0 : i32
      %dma_start3A_120 = tpu.memref_slice %arg11[%dma_start3A_118, %dma_start3A_119] : memref<10240x128xf32, #tpu.memory_space<vmem_shared>> -> memref<10240x128xf32, #tpu.memory_space<vmem_shared>>
      %dma_start3A_121 = tpu.memref_slice %arg13[%dma_start3A_110] : memref<2x!tpu.dma_semaphore, #tpu.memory_space<semaphore_mem>> -> memref<1x!tpu.dma_semaphore, #tpu.memory_space<semaphore_mem>>
      %dma_start3A_122 = tpu.memref_squeeze %dma_start3A_121 : memref<1x!tpu.dma_semaphore, #tpu.memory_space<semaphore_mem>> -> memref<!tpu.dma_semaphore, #tpu.memory_space<semaphore_mem>>
      tpu.enqueue_indirect_dma source(%dma_start3A_114 : memref<128x128xf32, #tpu.memory_space<vmem>>) target(%dma_start3A_120 : memref<10240x128xf32, #tpu.memory_space<vmem_shared>>) offsets(%dma_start3A_117 : memref<128xi32, #tpu.memory_space<vmem>>) semaphore(%dma_start3A_122 : memref<!tpu.dma_semaphore, #tpu.memory_space<semaphore_mem>>) {add = true}
      %dma_wait3A_123 = arith.constant 1 : i32
      %dma_wait3A_124 = arith.constant 1 : i32
      %dma_wait3A_125 = arith.constant 1 : i32
      %dma_wait3A_126 = arith.constant 0 : i32
      %dma_wait3A_127 = arith.constant 0 : i32
      %dma_wait3A_128 = tpu.memref_slice %arg9[%dma_wait3A_124, %dma_wait3A_126, %dma_wait3A_127] : memref<2x128x128xf32, #tpu.memory_space<vmem>> -> memref<1x128x128xf32, #tpu.memory_space<vmem>>
      %dma_wait3A_129 = tpu.memref_squeeze %dma_wait3A_128 : memref<1x128x128xf32, #tpu.memory_space<vmem>> -> memref<128x128xf32, #tpu.memory_space<vmem>>
      %dma_wait3A_130 = arith.constant 0 : i32
      %dma_wait3A_131 = tpu.memref_slice %arg8[%dma_wait3A_123, %dma_wait3A_130] : memref<4x128xi32, #tpu.memory_space<vmem>> -> memref<1x128xi32, #tpu.memory_space<vmem>>
      %dma_wait3A_132 = tpu.memref_squeeze %dma_wait3A_131 : memref<1x128xi32, #tpu.memory_space<vmem>> -> memref<128xi32, #tpu.memory_space<vmem>>
      %dma_wait3A_133 = arith.constant 0 : i32
      %dma_wait3A_134 = arith.constant 0 : i32
      %dma_wait3A_135 = tpu.memref_slice %arg3[%dma_wait3A_133, %dma_wait3A_134] : memref<10000x128xf32, #tpu.memory_space<hbm>> -> memref<10000x128xf32, #tpu.memory_space<hbm>>
      %dma_wait3A_136 = tpu.memref_slice %arg12[%dma_wait3A_125] : memref<2x!tpu.dma_semaphore, #tpu.memory_space<semaphore_mem>> -> memref<1x!tpu.dma_semaphore, #tpu.memory_space<semaphore_mem>>
      %dma_wait3A_137 = tpu.memref_squeeze %dma_wait3A_136 : memref<1x!tpu.dma_semaphore, #tpu.memory_space<semaphore_mem>> -> memref<!tpu.dma_semaphore, #tpu.memory_space<semaphore_mem>>
      tpu.wait_indirect_dma semaphore(%dma_wait3A_137 : memref<!tpu.dma_semaphore, #tpu.memory_space<semaphore_mem>>) src(%dma_wait3A_135 : memref<10000x128xf32, #tpu.memory_space<hbm>>) dst(%dma_wait3A_129 : memref<128x128xf32, #tpu.memory_space<vmem>>)
      %dma_start3A_138 = arith.constant 1 : i32
      %dma_start3A_139 = arith.constant 3 : i32
      %dma_start3A_140 = arith.constant 1 : i32
      %dma_start3A_141 = arith.constant 0 : i32
      %dma_start3A_142 = arith.constant 0 : i32
      %dma_start3A_143 = tpu.memref_slice %arg9[%dma_start3A_138, %dma_start3A_141, %dma_start3A_142] : memref<2x128x128xf32, #tpu.memory_space<vmem>> -> memref<1x128x128xf32, #tpu.memory_space<vmem>>
      %dma_start3A_144 = tpu.memref_squeeze %dma_start3A_143 : memref<1x128x128xf32, #tpu.memory_space<vmem>> -> memref<128x128xf32, #tpu.memory_space<vmem>>
      %dma_start3A_145 = arith.constant 0 : i32
      %dma_start3A_146 = tpu.memref_slice %arg8[%dma_start3A_139, %dma_start3A_145] : memref<4x128xi32, #tpu.memory_space<vmem>> -> memref<1x128xi32, #tpu.memory_space<vmem>>
      %dma_start3A_147 = tpu.memref_squeeze %dma_start3A_146 : memref<1x128xi32, #tpu.memory_space<vmem>> -> memref<128xi32, #tpu.memory_space<vmem>>
      %dma_start3A_148 = arith.constant 0 : i32
      %dma_start3A_149 = arith.constant 0 : i32
      %dma_start3A_150 = tpu.memref_slice %arg11[%dma_start3A_148, %dma_start3A_149] : memref<10240x128xf32, #tpu.memory_space<vmem_shared>> -> memref<10240x128xf32, #tpu.memory_space<vmem_shared>>
      %dma_start3A_151 = tpu.memref_slice %arg13[%dma_start3A_140] : memref<2x!tpu.dma_semaphore, #tpu.memory_space<semaphore_mem>> -> memref<1x!tpu.dma_semaphore, #tpu.memory_space<semaphore_mem>>
      %dma_start3A_152 = tpu.memref_squeeze %dma_start3A_151 : memref<1x!tpu.dma_semaphore, #tpu.memory_space<semaphore_mem>> -> memref<!tpu.dma_semaphore, #tpu.memory_space<semaphore_mem>>
      tpu.enqueue_indirect_dma source(%dma_start3A_144 : memref<128x128xf32, #tpu.memory_space<vmem>>) target(%dma_start3A_150 : memref<10240x128xf32, #tpu.memory_space<vmem_shared>>) offsets(%dma_start3A_147 : memref<128xi32, #tpu.memory_space<vmem>>) semaphore(%dma_start3A_152 : memref<!tpu.dma_semaphore, #tpu.memory_space<semaphore_mem>>) {add = true}
      %get3A = arith.constant 2 : i32
      %get3A_153 = arith.index_cast %get3A : i32 to index
      %get3A_154 = arith.constant 0 : index
      %get3A_155 = tpu.vector_load %arg8[%get3A_153, %get3A_154] {strides = array<i32>} : memref<4x128xi32, #tpu.memory_space<vmem>>, vector<16xi32>,
      tpu.vector_store_idx %arg10[%get3A_155], %broadcast_in_dim3A_49 {add = true} : memref<10240xf32, #tpu.memory_space<vmem>>[vector<16xi32>], vector<16xf32>,
      %get3A_156 = arith.constant 2 : i32
      %get3A_157 = arith.index_cast %get3A_156 : i32 to index
      %get3A_158 = arith.constant 16 : index
      %get3A_159 = tpu.vector_load %arg8[%get3A_157, %get3A_158] {strides = array<i32>} : memref<4x128xi32, #tpu.memory_space<vmem>>, vector<16xi32>,
      tpu.vector_store_idx %arg10[%get3A_159], %broadcast_in_dim3A_49 {add = true} : memref<10240xf32, #tpu.memory_space<vmem>>[vector<16xi32>], vector<16xf32>,
      %get3A_160 = arith.constant 2 : i32
      %get3A_161 = arith.index_cast %get3A_160 : i32 to index
      %get3A_162 = arith.constant 32 : index
      %get3A_163 = tpu.vector_load %arg8[%get3A_161, %get3A_162] {strides = array<i32>} : memref<4x128xi32, #tpu.memory_space<vmem>>, vector<16xi32>,
      tpu.vector_store_idx %arg10[%get3A_163], %broadcast_in_dim3A_49 {add = true} : memref<10240xf32, #tpu.memory_space<vmem>>[vector<16xi32>], vector<16xf32>,
      %get3A_164 = arith.constant 2 : i32
      %get3A_165 = arith.index_cast %get3A_164 : i32 to index
      %get3A_166 = arith.constant 48 : index
      %get3A_167 = tpu.vector_load %arg8[%get3A_165, %get3A_166] {strides = array<i32>} : memref<4x128xi32, #tpu.memory_space<vmem>>, vector<16xi32>,
      tpu.vector_store_idx %arg10[%get3A_167], %broadcast_in_dim3A_49 {add = true} : memref<10240xf32, #tpu.memory_space<vmem>>[vector<16xi32>], vector<16xf32>,
      %get3A_168 = arith.constant 2 : i32
      %get3A_169 = arith.index_cast %get3A_168 : i32 to index
      %get3A_170 = arith.constant 64 : index
      %get3A_171 = tpu.vector_load %arg8[%get3A_169, %get3A_170] {strides = array<i32>} : memref<4x128xi32, #tpu.memory_space<vmem>>, vector<16xi32>,
      tpu.vector_store_idx %arg10[%get3A_171], %broadcast_in_dim3A_49 {add = true} : memref<10240xf32, #tpu.memory_space<vmem>>[vector<16xi32>], vector<16xf32>,
      %get3A_172 = arith.constant 2 : i32
      %get3A_173 = arith.index_cast %get3A_172 : i32 to index
      %get3A_174 = arith.constant 80 : index
      %get3A_175 = tpu.vector_load %arg8[%get3A_173, %get3A_174] {strides = array<i32>} : memref<4x128xi32, #tpu.memory_space<vmem>>, vector<16xi32>,
      tpu.vector_store_idx %arg10[%get3A_175], %broadcast_in_dim3A_49 {add = true} : memref<10240xf32, #tpu.memory_space<vmem>>[vector<16xi32>], vector<16xf32>,
      %get3A_176 = arith.constant 2 : i32
      %get3A_177 = arith.index_cast %get3A_176 : i32 to index
      %get3A_178 = arith.constant 96 : index
      %get3A_179 = tpu.vector_load %arg8[%get3A_177, %get3A_178] {strides = array<i32>} : memref<4x128xi32, #tpu.memory_space<vmem>>, vector<16xi32>,
      tpu.vector_store_idx %arg10[%get3A_179], %broadcast_in_dim3A_49 {add = true} : memref<10240xf32, #tpu.memory_space<vmem>>[vector<16xi32>], vector<16xf32>,
      %get3A_180 = arith.constant 2 : i32
      %get3A_181 = arith.index_cast %get3A_180 : i32 to index
      %get3A_182 = arith.constant 112 : index
      %get3A_183 = tpu.vector_load %arg8[%get3A_181, %get3A_182] {strides = array<i32>} : memref<4x128xi32, #tpu.memory_space<vmem>>, vector<16xi32>,
      tpu.vector_store_idx %arg10[%get3A_183], %broadcast_in_dim3A_49 {add = true} : memref<10240xf32, #tpu.memory_space<vmem>>[vector<16xi32>], vector<16xf32>,
      %get3A_184 = arith.constant 3 : i32
      %get3A_185 = arith.index_cast %get3A_184 : i32 to index
      %get3A_186 = arith.constant 0 : index
      %get3A_187 = tpu.vector_load %arg8[%get3A_185, %get3A_186] {strides = array<i32>} : memref<4x128xi32, #tpu.memory_space<vmem>>, vector<16xi32>,
      tpu.vector_store_idx %arg10[%get3A_187], %broadcast_in_dim3A_49 {add = true} : memref<10240xf32, #tpu.memory_space<vmem>>[vector<16xi32>], vector<16xf32>,
      %get3A_188 = arith.constant 3 : i32
      %get3A_189 = arith.index_cast %get3A_188 : i32 to index
      %get3A_190 = arith.constant 16 : index
      %get3A_191 = tpu.vector_load %arg8[%get3A_189, %get3A_190] {strides = array<i32>} : memref<4x128xi32, #tpu.memory_space<vmem>>, vector<16xi32>,
      tpu.vector_store_idx %arg10[%get3A_191], %broadcast_in_dim3A_49 {add = true} : memref<10240xf32, #tpu.memory_space<vmem>>[vector<16xi32>], vector<16xf32>,
      %get3A_192 = arith.constant 3 : i32
      %get3A_193 = arith.index_cast %get3A_192 : i32 to index
      %get3A_194 = arith.constant 32 : index
      %get3A_195 = tpu.vector_load %arg8[%get3A_193, %get3A_194] {strides = array<i32>} : memref<4x128xi32, #tpu.memory_space<vmem>>, vector<16xi32>,
      tpu.vector_store_idx %arg10[%get3A_195], %broadcast_in_dim3A_49 {add = true} : memref<10240xf32, #tpu.memory_space<vmem>>[vector<16xi32>], vector<16xf32>,
      %get3A_196 = arith.constant 3 : i32
      %get3A_197 = arith.index_cast %get3A_196 : i32 to index
      %get3A_198 = arith.constant 48 : index
      %get3A_199 = tpu.vector_load %arg8[%get3A_197, %get3A_198] {strides = array<i32>} : memref<4x128xi32, #tpu.memory_space<vmem>>, vector<16xi32>,
      tpu.vector_store_idx %arg10[%get3A_199], %broadcast_in_dim3A_49 {add = true} : memref<10240xf32, #tpu.memory_space<vmem>>[vector<16xi32>], vector<16xf32>,
      %get3A_200 = arith.constant 3 : i32
      %get3A_201 = arith.index_cast %get3A_200 : i32 to index
      %get3A_202 = arith.constant 64 : index
      %get3A_203 = tpu.vector_load %arg8[%get3A_201, %get3A_202] {strides = array<i32>} : memref<4x128xi32, #tpu.memory_space<vmem>>, vector<16xi32>,
      tpu.vector_store_idx %arg10[%get3A_203], %broadcast_in_dim3A_49 {add = true} : memref<10240xf32, #tpu.memory_space<vmem>>[vector<16xi32>], vector<16xf32>,
      %get3A_204 = arith.constant 3 : i32
      %get3A_205 = arith.index_cast %get3A_204 : i32 to index
      %get3A_206 = arith.constant 80 : index
      %get3A_207 = tpu.vector_load %arg8[%get3A_205, %get3A_206] {strides = array<i32>} : memref<4x128xi32, #tpu.memory_space<vmem>>, vector<16xi32>,
      tpu.vector_store_idx %arg10[%get3A_207], %broadcast_in_dim3A_49 {add = true} : memref<10240xf32, #tpu.memory_space<vmem>>[vector<16xi32>], vector<16xf32>,
      %get3A_208 = arith.constant 3 : i32
      %get3A_209 = arith.index_cast %get3A_208 : i32 to index
      %get3A_210 = arith.constant 96 : index
      %get3A_211 = tpu.vector_load %arg8[%get3A_209, %get3A_210] {strides = array<i32>} : memref<4x128xi32, #tpu.memory_space<vmem>>, vector<16xi32>,
      tpu.vector_store_idx %arg10[%get3A_211], %broadcast_in_dim3A_49 {add = true} : memref<10240xf32, #tpu.memory_space<vmem>>[vector<16xi32>], vector<16xf32>,
      %get3A_212 = arith.constant 3 : i32
      %get3A_213 = arith.index_cast %get3A_212 : i32 to index
      %get3A_214 = arith.constant 112 : index
      %get3A_215 = tpu.vector_load %arg8[%get3A_213, %get3A_214] {strides = array<i32>} : memref<4x128xi32, #tpu.memory_space<vmem>>, vector<16xi32>,
      tpu.vector_store_idx %arg10[%get3A_215], %broadcast_in_dim3A_49 {add = true} : memref<10240xf32, #tpu.memory_space<vmem>>[vector<16xi32>], vector<16xf32>,
      %dma_wait3A_216 = arith.constant 0 : i32
      %dma_wait3A_217 = arith.constant 2 : i32
      %dma_wait3A_218 = arith.constant 0 : i32
      %dma_wait3A_219 = arith.constant 0 : i32
      %dma_wait3A_220 = arith.constant 0 : i32
      %dma_wait3A_221 = tpu.memref_slice %arg9[%dma_wait3A_216, %dma_wait3A_219, %dma_wait3A_220] : memref<2x128x128xf32, #tpu.memory_space<vmem>> -> memref<1x128x128xf32, #tpu.memory_space<vmem>>
      %dma_wait3A_222 = tpu.memref_squeeze %dma_wait3A_221 : memref<1x128x128xf32, #tpu.memory_space<vmem>> -> memref<128x128xf32, #tpu.memory_space<vmem>>
      %dma_wait3A_223 = arith.constant 0 : i32
      %dma_wait3A_224 = tpu.memref_slice %arg8[%dma_wait3A_217, %dma_wait3A_223] : memref<4x128xi32, #tpu.memory_space<vmem>> -> memref<1x128xi32, #tpu.memory_space<vmem>>
      %dma_wait3A_225 = tpu.memref_squeeze %dma_wait3A_224 : memref<1x128xi32, #tpu.memory_space<vmem>> -> memref<128xi32, #tpu.memory_space<vmem>>
      %dma_wait3A_226 = arith.constant 0 : i32
      %dma_wait3A_227 = arith.constant 0 : i32
      %dma_wait3A_228 = tpu.memref_slice %arg11[%dma_wait3A_226, %dma_wait3A_227] : memref<10240x128xf32, #tpu.memory_space<vmem_shared>> -> memref<10240x128xf32, #tpu.memory_space<vmem_shared>>
      %dma_wait3A_229 = tpu.memref_slice %arg13[%dma_wait3A_218] : memref<2x!tpu.dma_semaphore, #tpu.memory_space<semaphore_mem>> -> memref<1x!tpu.dma_semaphore, #tpu.memory_space<semaphore_mem>>
      %dma_wait3A_230 = tpu.memref_squeeze %dma_wait3A_229 : memref<1x!tpu.dma_semaphore, #tpu.memory_space<semaphore_mem>> -> memref<!tpu.dma_semaphore, #tpu.memory_space<semaphore_mem>>
      tpu.wait_indirect_dma semaphore(%dma_wait3A_230 : memref<!tpu.dma_semaphore, #tpu.memory_space<semaphore_mem>>) src(%dma_wait3A_222 : memref<128x128xf32, #tpu.memory_space<vmem>>) dst(%dma_wait3A_228 : memref<10240x128xf32, #tpu.memory_space<vmem_shared>>)
      %dma_wait3A_231 = arith.constant 1 : i32
      %dma_wait3A_232 = arith.constant 3 : i32
      %dma_wait3A_233 = arith.constant 1 : i32
      %dma_wait3A_234 = arith.constant 0 : i32
      %dma_wait3A_235 = arith.constant 0 : i32
      %dma_wait3A_236 = tpu.memref_slice %arg9[%dma_wait3A_231, %dma_wait3A_234, %dma_wait3A_235] : memref<2x128x128xf32, #tpu.memory_space<vmem>> -> memref<1x128x128xf32, #tpu.memory_space<vmem>>
      %dma_wait3A_237 = tpu.memref_squeeze %dma_wait3A_236 : memref<1x128x128xf32, #tpu.memory_space<vmem>> -> memref<128x128xf32, #tpu.memory_space<vmem>>
      %dma_wait3A_238 = arith.constant 0 : i32
      %dma_wait3A_239 = tpu.memref_slice %arg8[%dma_wait3A_232, %dma_wait3A_238] : memref<4x128xi32, #tpu.memory_space<vmem>> -> memref<1x128xi32, #tpu.memory_space<vmem>>
      %dma_wait3A_240 = tpu.memref_squeeze %dma_wait3A_239 : memref<1x128xi32, #tpu.memory_space<vmem>> -> memref<128xi32, #tpu.memory_space<vmem>>
      %dma_wait3A_241 = arith.constant 0 : i32
      %dma_wait3A_242 = arith.constant 0 : i32
      %dma_wait3A_243 = tpu.memref_slice %arg11[%dma_wait3A_241, %dma_wait3A_242] : memref<10240x128xf32, #tpu.memory_space<vmem_shared>> -> memref<10240x128xf32, #tpu.memory_space<vmem_shared>>
      %dma_wait3A_244 = tpu.memref_slice %arg13[%dma_wait3A_233] : memref<2x!tpu.dma_semaphore, #tpu.memory_space<semaphore_mem>> -> memref<1x!tpu.dma_semaphore, #tpu.memory_space<semaphore_mem>>
      %dma_wait3A_245 = tpu.memref_squeeze %dma_wait3A_244 : memref<1x!tpu.dma_semaphore, #tpu.memory_space<semaphore_mem>> -> memref<!tpu.dma_semaphore, #tpu.memory_space<semaphore_mem>>
      tpu.wait_indirect_dma semaphore(%dma_wait3A_245 : memref<!tpu.dma_semaphore, #tpu.memory_space<semaphore_mem>>) src(%dma_wait3A_237 : memref<128x128xf32, #tpu.memory_space<vmem>>) dst(%dma_wait3A_243 : memref<10240x128xf32, #tpu.memory_space<vmem_shared>>)
    }
    %while3A_57 = arith.constant 1 : i32
    scf.for %while3A_64 = %while3A_55 to %while3A_51 step %while3A_57  : i32 {
      "tpu.region"() ({
        %run_scoped3A = tpu.sem_alloc : memref<!tpu.dma_semaphore, #tpu.memory_space<semaphore_mem>>
        %dma_start3A_246 = arith.constant 0 : i32
        %dma_start3A_247 = arith.constant 0 : i32
        %dma_start3A_248 = tpu.memref_slice %arg2[%while3A_64, %dma_start3A_246, %dma_start3A_247] : memref<1250x4x128xi32, #tpu.memory_space<hbm>> -> memref<1x4x128xi32, #tpu.memory_space<hbm>>
        %dma_start3A_249 = tpu.memref_squeeze %dma_start3A_248 : memref<1x4x128xi32, #tpu.memory_space<hbm>> -> memref<4x128xi32, #tpu.memory_space<hbm>>
        %dma_start3A_250 = arith.constant 0 : i32
        %dma_start3A_251 = arith.constant 0 : i32
        %dma_start3A_252 = tpu.memref_slice %arg2[%while3A_64, %dma_start3A_250, %dma_start3A_251] : memref<1250x4x128xi32, #tpu.memory_space<hbm>> -> memref<1x4x128xi32, #tpu.memory_space<hbm>>
        %dma_start3A_253 = tpu.memref_squeeze %dma_start3A_252 : memref<1x4x128xi32, #tpu.memory_space<hbm>> -> memref<4x128xi32, #tpu.memory_space<hbm>>
        tpu.enqueue_dma source(%dma_start3A_253 : memref<4x128xi32, #tpu.memory_space<hbm>>) target(%arg8 : memref<4x128xi32, #tpu.memory_space<vmem>>) target_semaphore(%run_scoped3A : memref<!tpu.dma_semaphore, #tpu.memory_space<semaphore_mem>>)
        %dma_wait3A_254 = arith.constant 0 : i32
        %dma_wait3A_255 = arith.constant 0 : i32
        %dma_wait3A_256 = tpu.memref_slice %arg2[%while3A_64, %dma_wait3A_254, %dma_wait3A_255] : memref<1250x4x128xi32, #tpu.memory_space<hbm>> -> memref<1x4x128xi32, #tpu.memory_space<hbm>>
        %dma_wait3A_257 = tpu.memref_squeeze %dma_wait3A_256 : memref<1x4x128xi32, #tpu.memory_space<hbm>> -> memref<4x128xi32, #tpu.memory_space<hbm>>
        %dma_wait3A_258 = arith.constant 0 : i32
        %dma_wait3A_259 = arith.constant 0 : i32
        %dma_wait3A_260 = tpu.memref_slice %arg2[%while3A_64, %dma_wait3A_258, %dma_wait3A_259] : memref<1250x4x128xi32, #tpu.memory_space<hbm>> -> memref<1x4x128xi32, #tpu.memory_space<hbm>>
        %dma_wait3A_261 = tpu.memref_squeeze %dma_wait3A_260 : memref<1x4x128xi32, #tpu.memory_space<hbm>> -> memref<4x128xi32, #tpu.memory_space<hbm>>
        tpu.wait_dma2 semaphore(%run_scoped3A : memref<!tpu.dma_semaphore, #tpu.memory_space<semaphore_mem>>) src(%dma_wait3A_261 : memref<4x128xi32, #tpu.memory_space<hbm>>) dst(%arg8 : memref<4x128xi32, #tpu.memory_space<vmem>>)
        tpu.yield
      }) : () -> ()
      %dma_start3A = arith.constant 0 : i32
      %dma_start3A_65 = arith.constant 0 : i32
      %dma_start3A_66 = arith.constant 0 : i32
      %dma_start3A_67 = arith.constant 0 : i32
      %dma_start3A_68 = arith.constant 0 : i32
      %dma_start3A_69 = tpu.memref_slice %arg9[%dma_start3A_65, %dma_start3A_67, %dma_start3A_68] : memref<2x128x128xf32, #tpu.memory_space<vmem>> -> memref<1x128x128xf32, #tpu.memory_space<vmem>>
      %dma_start3A_70 = tpu.memref_squeeze %dma_start3A_69 : memref<1x128x128xf32, #tpu.memory_space<vmem>> -> memref<128x128xf32, #tpu.memory_space<vmem>>
      %dma_start3A_71 = arith.constant 0 : i32
      %dma_start3A_72 = tpu.memref_slice %arg8[%dma_start3A, %dma_start3A_71] : memref<4x128xi32, #tpu.memory_space<vmem>> -> memref<1x128xi32, #tpu.memory_space<vmem>>
      %dma_start3A_73 = tpu.memref_squeeze %dma_start3A_72 : memref<1x128xi32, #tpu.memory_space<vmem>> -> memref<128xi32, #tpu.memory_space<vmem>>
      %dma_start3A_74 = arith.constant 0 : i32
      %dma_start3A_75 = arith.constant 0 : i32
      %dma_start3A_76 = tpu.memref_slice %arg3[%dma_start3A_74, %dma_start3A_75] : memref<10000x128xf32, #tpu.memory_space<hbm>> -> memref<10000x128xf32, #tpu.memory_space<hbm>>
      %dma_start3A_77 = tpu.memref_slice %arg12[%dma_start3A_66] : memref<2x!tpu.dma_semaphore, #tpu.memory_space<semaphore_mem>> -> memref<1x!tpu.dma_semaphore, #tpu.memory_space<semaphore_mem>>
      %dma_start3A_78 = tpu.memref_squeeze %dma_start3A_77 : memref<1x!tpu.dma_semaphore, #tpu.memory_space<semaphore_mem>> -> memref<!tpu.dma_semaphore, #tpu.memory_space<semaphore_mem>>
      tpu.enqueue_indirect_dma source(%dma_start3A_76 : memref<10000x128xf32, #tpu.memory_space<hbm>>) target(%dma_start3A_70 : memref<128x128xf32, #tpu.memory_space<vmem>>) offsets(%dma_start3A_73 : memref<128xi32, #tpu.memory_space<vmem>>) semaphore(%dma_start3A_78 : memref<!tpu.dma_semaphore, #tpu.memory_space<semaphore_mem>>)
      %dma_start3A_79 = arith.constant 1 : i32
      %dma_start3A_80 = arith.constant 1 : i32
      %dma_start3A_81 = arith.constant 1 : i32
      %dma_start3A_82 = arith.constant 0 : i32
      %dma_start3A_83 = arith.constant 0 : i32
      %dma_start3A_84 = tpu.memref_slice %arg9[%dma_start3A_80, %dma_start3A_82, %dma_start3A_83] : memref<2x128x128xf32, #tpu.memory_space<vmem>> -> memref<1x128x128xf32, #tpu.memory_space<vmem>>
      %dma_start3A_85 = tpu.memref_squeeze %dma_start3A_84 : memref<1x128x128xf32, #tpu.memory_space<vmem>> -> memref<128x128xf32, #tpu.memory_space<vmem>>
      %dma_start3A_86 = arith.constant 0 : i32
      %dma_start3A_87 = tpu.memref_slice %arg8[%dma_start3A_79, %dma_start3A_86] : memref<4x128xi32, #tpu.memory_space<vmem>> -> memref<1x128xi32, #tpu.memory_space<vmem>>
      %dma_start3A_88 = tpu.memref_squeeze %dma_start3A_87 : memref<1x128xi32, #tpu.memory_space<vmem>> -> memref<128xi32, #tpu.memory_space<vmem>>
      %dma_start3A_89 = arith.constant 0 : i32
      %dma_start3A_90 = arith.constant 0 : i32
      %dma_start3A_91 = tpu.memref_slice %arg3[%dma_start3A_89, %dma_start3A_90] : memref<10000x128xf32, #tpu.memory_space<hbm>> -> memref<10000x128xf32, #tpu.memory_space<hbm>>
      %dma_start3A_92 = tpu.memref_slice %arg12[%dma_start3A_81] : memref<2x!tpu.dma_semaphore, #tpu.memory_space<semaphore_mem>> -> memref<1x!tpu.dma_semaphore, #tpu.memory_space<semaphore_mem>>
      %dma_start3A_93 = tpu.memref_squeeze %dma_start3A_92 : memref<1x!tpu.dma_semaphore, #tpu.memory_space<semaphore_mem>> -> memref<!tpu.dma_semaphore, #tpu.memory_space<semaphore_mem>>
      tpu.enqueue_indirect_dma source(%dma_start3A_91 : memref<10000x128xf32, #tpu.memory_space<hbm>>) target(%dma_start3A_85 : memref<128x128xf32, #tpu.memory_space<vmem>>) offsets(%dma_start3A_88 : memref<128xi32, #tpu.memory_space<vmem>>) semaphore(%dma_start3A_93 : memref<!tpu.dma_semaphore, #tpu.memory_space<semaphore_mem>>)
      %dma_wait3A = arith.constant 0 : i32
      %dma_wait3A_94 = arith.constant 0 : i32
      %dma_wait3A_95 = arith.constant 0 : i32
      %dma_wait3A_96 = arith.constant 0 : i32
      %dma_wait3A_97 = arith.constant 0 : i32
      %dma_wait3A_98 = tpu.memref_slice %arg9[%dma_wait3A_94, %dma_wait3A_96, %dma_wait3A_97] : memref<2x128x128xf32, #tpu.memory_space<vmem>> -> memref<1x128x128xf32, #tpu.memory_space<vmem>>
      %dma_wait3A_99 = tpu.memref_squeeze %dma_wait3A_98 : memref<1x128x128xf32, #tpu.memory_space<vmem>> -> memref<128x128xf32, #tpu.memory_space<vmem>>
      %dma_wait3A_100 = arith.constant 0 : i32
      %dma_wait3A_101 = tpu.memref_slice %arg8[%dma_wait3A, %dma_wait3A_100] : memref<4x128xi32, #tpu.memory_space<vmem>> -> memref<1x128xi32, #tpu.memory_space<vmem>>
      %dma_wait3A_102 = tpu.memref_squeeze %dma_wait3A_101 : memref<1x128xi32, #tpu.memory_space<vmem>> -> memref<128xi32, #tpu.memory_space<vmem>>
      %dma_wait3A_103 = arith.constant 0 : i32
      %dma_wait3A_104 = arith.constant 0 : i32
      %dma_wait3A_105 = tpu.memref_slice %arg3[%dma_wait3A_103, %dma_wait3A_104] : memref<10000x128xf32, #tpu.memory_space<hbm>> -> memref<10000x128xf32, #tpu.memory_space<hbm>>
      %dma_wait3A_106 = tpu.memref_slice %arg12[%dma_wait3A_95] : memref<2x!tpu.dma_semaphore, #tpu.memory_space<semaphore_mem>> -> memref<1x!tpu.dma_semaphore, #tpu.memory_space<semaphore_mem>>
      %dma_wait3A_107 = tpu.memref_squeeze %dma_wait3A_106 : memref<1x!tpu.dma_semaphore, #tpu.memory_space<semaphore_mem>> -> memref<!tpu.dma_semaphore, #tpu.memory_space<semaphore_mem>>
      tpu.wait_indirect_dma semaphore(%dma_wait3A_107 : memref<!tpu.dma_semaphore, #tpu.memory_space<semaphore_mem>>) src(%dma_wait3A_105 : memref<10000x128xf32, #tpu.memory_space<hbm>>) dst(%dma_wait3A_99 : memref<128x128xf32, #tpu.memory_space<vmem>>)
      %dma_start3A_108 = arith.constant 0 : i32
      %dma_start3A_109 = arith.constant 2 : i32
      %dma_start3A_110 = arith.constant 0 : i32
      %dma_start3A_111 = arith.constant 0 : i32
      %dma_start3A_112 = arith.constant 0 : i32
      %dma_start3A_113 = tpu.memref_slice %arg9[%dma_start3A_108, %dma_start3A_111, %dma_start3A_112] : memref<2x128x128xf32, #tpu.memory_space<vmem>> -> memref<1x128x128xf32, #tpu.memory_space<vmem>>
      %dma_start3A_114 = tpu.memref_squeeze %dma_start3A_113 : memref<1x128x128xf32, #tpu.memory_space<vmem>> -> memref<128x128xf32, #tpu.memory_space<vmem>>
      %dma_start3A_115 = arith.constant 0 : i32
      %dma_start3A_116 = tpu.memref_slice %arg8[%dma_start3A_109, %dma_start3A_115] : memref<4x128xi32, #tpu.memory_space<vmem>> -> memref<1x128xi32, #tpu.memory_space<vmem>>
      %dma_start3A_117 = tpu.memref_squeeze %dma_start3A_116 : memref<1x128xi32, #tpu.memory_space<vmem>> -> memref<128xi32, #tpu.memory_space<vmem>>
      %dma_start3A_118 = arith.constant 0 : i32
      %dma_start3A_119 = arith.constant 0 : i32
      %dma_start3A_120 = tpu.memref_slice %arg11[%dma_start3A_118, %dma_start3A_119] : memref<10240x128xf32, #tpu.memory_space<vmem_shared>> -> memref<10240x128xf32, #tpu.memory_space<vmem_shared>>
      %dma_start3A_121 = tpu.memref_slice %arg13[%dma_start3A_110] : memref<2x!tpu.dma_semaphore, #tpu.memory_space<semaphore_mem>> -> memref<1x!tpu.dma_semaphore, #tpu.memory_space<semaphore_mem>>
      %dma_start3A_122 = tpu.memref_squeeze %dma_start3A_121 : memref<1x!tpu.dma_semaphore, #tpu.memory_space<semaphore_mem>> -> memref<!tpu.dma_semaphore, #tpu.memory_space<semaphore_mem>>
      tpu.enqueue_indirect_dma source(%dma_start3A_114 : memref<128x128xf32, #tpu.memory_space<vmem>>) target(%dma_start3A_120 : memref<10240x128xf32, #tpu.memory_space<vmem_shared>>) offsets(%dma_start3A_117 : memref<128xi32, #tpu.memory_space<vmem>>) semaphore(%dma_start3A_122 : memref<!tpu.dma_semaphore, #tpu.memory_space<semaphore_mem>>) {add = true}
      %dma_wait3A_123 = arith.constant 1 : i32
      %dma_wait3A_124 = arith.constant 1 : i32
      %dma_wait3A_125 = arith.constant 1 : i32
      %dma_wait3A_126 = arith.constant 0 : i32
      %dma_wait3A_127 = arith.constant 0 : i32
      %dma_wait3A_128 = tpu.memref_slice %arg9[%dma_wait3A_124, %dma_wait3A_126, %dma_wait3A_127] : memref<2x128x128xf32, #tpu.memory_space<vmem>> -> memref<1x128x128xf32, #tpu.memory_space<vmem>>
      %dma_wait3A_129 = tpu.memref_squeeze %dma_wait3A_128 : memref<1x128x128xf32, #tpu.memory_space<vmem>> -> memref<128x128xf32, #tpu.memory_space<vmem>>
      %dma_wait3A_130 = arith.constant 0 : i32
      %dma_wait3A_131 = tpu.memref_slice %arg8[%dma_wait3A_123, %dma_wait3A_130] : memref<4x128xi32, #tpu.memory_space<vmem>> -> memref<1x128xi32, #tpu.memory_space<vmem>>
      %dma_wait3A_132 = tpu.memref_squeeze %dma_wait3A_131 : memref<1x128xi32, #tpu.memory_space<vmem>> -> memref<128xi32, #tpu.memory_space<vmem>>
      %dma_wait3A_133 = arith.constant 0 : i32
      %dma_wait3A_134 = arith.constant 0 : i32
      %dma_wait3A_135 = tpu.memref_slice %arg3[%dma_wait3A_133, %dma_wait3A_134] : memref<10000x128xf32, #tpu.memory_space<hbm>> -> memref<10000x128xf32, #tpu.memory_space<hbm>>
      %dma_wait3A_136 = tpu.memref_slice %arg12[%dma_wait3A_125] : memref<2x!tpu.dma_semaphore, #tpu.memory_space<semaphore_mem>> -> memref<1x!tpu.dma_semaphore, #tpu.memory_space<semaphore_mem>>
      %dma_wait3A_137 = tpu.memref_squeeze %dma_wait3A_136 : memref<1x!tpu.dma_semaphore, #tpu.memory_space<semaphore_mem>> -> memref<!tpu.dma_semaphore, #tpu.memory_space<semaphore_mem>>
      tpu.wait_indirect_dma semaphore(%dma_wait3A_137 : memref<!tpu.dma_semaphore, #tpu.memory_space<semaphore_mem>>) src(%dma_wait3A_135 : memref<10000x128xf32, #tpu.memory_space<hbm>>) dst(%dma_wait3A_129 : memref<128x128xf32, #tpu.memory_space<vmem>>)
      %dma_start3A_138 = arith.constant 1 : i32
      %dma_start3A_139 = arith.constant 3 : i32
      %dma_start3A_140 = arith.constant 1 : i32
      %dma_start3A_141 = arith.constant 0 : i32
      %dma_start3A_142 = arith.constant 0 : i32
      %dma_start3A_143 = tpu.memref_slice %arg9[%dma_start3A_138, %dma_start3A_141, %dma_start3A_142] : memref<2x128x128xf32, #tpu.memory_space<vmem>> -> memref<1x128x128xf32, #tpu.memory_space<vmem>>
      %dma_start3A_144 = tpu.memref_squeeze %dma_start3A_143 : memref<1x128x128xf32, #tpu.memory_space<vmem>> -> memref<128x128xf32, #tpu.memory_space<vmem>>
      %dma_start3A_145 = arith.constant 0 : i32
      %dma_start3A_146 = tpu.memref_slice %arg8[%dma_start3A_139, %dma_start3A_145] : memref<4x128xi32, #tpu.memory_space<vmem>> -> memref<1x128xi32, #tpu.memory_space<vmem>>
      %dma_start3A_147 = tpu.memref_squeeze %dma_start3A_146 : memref<1x128xi32, #tpu.memory_space<vmem>> -> memref<128xi32, #tpu.memory_space<vmem>>
      %dma_start3A_148 = arith.constant 0 : i32
      %dma_start3A_149 = arith.constant 0 : i32
      %dma_start3A_150 = tpu.memref_slice %arg11[%dma_start3A_148, %dma_start3A_149] : memref<10240x128xf32, #tpu.memory_space<vmem_shared>> -> memref<10240x128xf32, #tpu.memory_space<vmem_shared>>
      %dma_start3A_151 = tpu.memref_slice %arg13[%dma_start3A_140] : memref<2x!tpu.dma_semaphore, #tpu.memory_space<semaphore_mem>> -> memref<1x!tpu.dma_semaphore, #tpu.memory_space<semaphore_mem>>
      %dma_start3A_152 = tpu.memref_squeeze %dma_start3A_151 : memref<1x!tpu.dma_semaphore, #tpu.memory_space<semaphore_mem>> -> memref<!tpu.dma_semaphore, #tpu.memory_space<semaphore_mem>>
      tpu.enqueue_indirect_dma source(%dma_start3A_144 : memref<128x128xf32, #tpu.memory_space<vmem>>) target(%dma_start3A_150 : memref<10240x128xf32, #tpu.memory_space<vmem_shared>>) offsets(%dma_start3A_147 : memref<128xi32, #tpu.memory_space<vmem>>) semaphore(%dma_start3A_152 : memref<!tpu.dma_semaphore, #tpu.memory_space<semaphore_mem>>) {add = true}
      %get3A = arith.constant 2 : i32
      %get3A_153 = arith.index_cast %get3A : i32 to index
      %get3A_154 = arith.constant 0 : index
      %get3A_155 = tpu.vector_load %arg8[%get3A_153, %get3A_154] {strides = array<i32>} : memref<4x128xi32, #tpu.memory_space<vmem>>, vector<16xi32>,
      tpu.vector_store_idx %arg10[%get3A_155], %broadcast_in_dim3A_49 {add = true} : memref<10240xf32, #tpu.memory_space<vmem>>[vector<16xi32>], vector<16xf32>,
      %get3A_156 = arith.constant 2 : i32
      %get3A_157 = arith.index_cast %get3A_156 : i32 to index
      %get3A_158 = arith.constant 16 : index
      %get3A_159 = tpu.vector_load %arg8[%get3A_157, %get3A_158] {strides = array<i32>} : memref<4x128xi32, #tpu.memory_space<vmem>>, vector<16xi32>,
      tpu.vector_store_idx %arg10[%get3A_159], %broadcast_in_dim3A_49 {add = true} : memref<10240xf32, #tpu.memory_space<vmem>>[vector<16xi32>], vector<16xf32>,
      %get3A_160 = arith.constant 2 : i32
      %get3A_161 = arith.index_cast %get3A_160 : i32 to index
      %get3A_162 = arith.constant 32 : index
      %get3A_163 = tpu.vector_load %arg8[%get3A_161, %get3A_162] {strides = array<i32>} : memref<4x128xi32, #tpu.memory_space<vmem>>, vector<16xi32>,
      tpu.vector_store_idx %arg10[%get3A_163], %broadcast_in_dim3A_49 {add = true} : memref<10240xf32, #tpu.memory_space<vmem>>[vector<16xi32>], vector<16xf32>,
      %get3A_164 = arith.constant 2 : i32
      %get3A_165 = arith.index_cast %get3A_164 : i32 to index
      %get3A_166 = arith.constant 48 : index
      %get3A_167 = tpu.vector_load %arg8[%get3A_165, %get3A_166] {strides = array<i32>} : memref<4x128xi32, #tpu.memory_space<vmem>>, vector<16xi32>,
      tpu.vector_store_idx %arg10[%get3A_167], %broadcast_in_dim3A_49 {add = true} : memref<10240xf32, #tpu.memory_space<vmem>>[vector<16xi32>], vector<16xf32>,
      %get3A_168 = arith.constant 2 : i32
      %get3A_169 = arith.index_cast %get3A_168 : i32 to index
      %get3A_170 = arith.constant 64 : index
      %get3A_171 = tpu.vector_load %arg8[%get3A_169, %get3A_170] {strides = array<i32>} : memref<4x128xi32, #tpu.memory_space<vmem>>, vector<16xi32>,
      tpu.vector_store_idx %arg10[%get3A_171], %broadcast_in_dim3A_49 {add = true} : memref<10240xf32, #tpu.memory_space<vmem>>[vector<16xi32>], vector<16xf32>,
      %get3A_172 = arith.constant 2 : i32
      %get3A_173 = arith.index_cast %get3A_172 : i32 to index
      %get3A_174 = arith.constant 80 : index
      %get3A_175 = tpu.vector_load %arg8[%get3A_173, %get3A_174] {strides = array<i32>} : memref<4x128xi32, #tpu.memory_space<vmem>>, vector<16xi32>,
      tpu.vector_store_idx %arg10[%get3A_175], %broadcast_in_dim3A_49 {add = true} : memref<10240xf32, #tpu.memory_space<vmem>>[vector<16xi32>], vector<16xf32>,
      %get3A_176 = arith.constant 2 : i32
      %get3A_177 = arith.index_cast %get3A_176 : i32 to index
      %get3A_178 = arith.constant 96 : index
      %get3A_179 = tpu.vector_load %arg8[%get3A_177, %get3A_178] {strides = array<i32>} : memref<4x128xi32, #tpu.memory_space<vmem>>, vector<16xi32>,
      tpu.vector_store_idx %arg10[%get3A_179], %broadcast_in_dim3A_49 {add = true} : memref<10240xf32, #tpu.memory_space<vmem>>[vector<16xi32>], vector<16xf32>,
      %get3A_180 = arith.constant 2 : i32
      %get3A_181 = arith.index_cast %get3A_180 : i32 to index
      %get3A_182 = arith.constant 112 : index
      %get3A_183 = tpu.vector_load %arg8[%get3A_181, %get3A_182] {strides = array<i32>} : memref<4x128xi32, #tpu.memory_space<vmem>>, vector<16xi32>,
      tpu.vector_store_idx %arg10[%get3A_183], %broadcast_in_dim3A_49 {add = true} : memref<10240xf32, #tpu.memory_space<vmem>>[vector<16xi32>], vector<16xf32>,
      %get3A_184 = arith.constant 3 : i32
      %get3A_185 = arith.index_cast %get3A_184 : i32 to index
      %get3A_186 = arith.constant 0 : index
      %get3A_187 = tpu.vector_load %arg8[%get3A_185, %get3A_186] {strides = array<i32>} : memref<4x128xi32, #tpu.memory_space<vmem>>, vector<16xi32>,
      tpu.vector_store_idx %arg10[%get3A_187], %broadcast_in_dim3A_49 {add = true} : memref<10240xf32, #tpu.memory_space<vmem>>[vector<16xi32>], vector<16xf32>,
      %get3A_188 = arith.constant 3 : i32
      %get3A_189 = arith.index_cast %get3A_188 : i32 to index
      %get3A_190 = arith.constant 16 : index
      %get3A_191 = tpu.vector_load %arg8[%get3A_189, %get3A_190] {strides = array<i32>} : memref<4x128xi32, #tpu.memory_space<vmem>>, vector<16xi32>,
      tpu.vector_store_idx %arg10[%get3A_191], %broadcast_in_dim3A_49 {add = true} : memref<10240xf32, #tpu.memory_space<vmem>>[vector<16xi32>], vector<16xf32>,
      %get3A_192 = arith.constant 3 : i32
      %get3A_193 = arith.index_cast %get3A_192 : i32 to index
      %get3A_194 = arith.constant 32 : index
      %get3A_195 = tpu.vector_load %arg8[%get3A_193, %get3A_194] {strides = array<i32>} : memref<4x128xi32, #tpu.memory_space<vmem>>, vector<16xi32>,
      tpu.vector_store_idx %arg10[%get3A_195], %broadcast_in_dim3A_49 {add = true} : memref<10240xf32, #tpu.memory_space<vmem>>[vector<16xi32>], vector<16xf32>,
      %get3A_196 = arith.constant 3 : i32
      %get3A_197 = arith.index_cast %get3A_196 : i32 to index
      %get3A_198 = arith.constant 48 : index
      %get3A_199 = tpu.vector_load %arg8[%get3A_197, %get3A_198] {strides = array<i32>} : memref<4x128xi32, #tpu.memory_space<vmem>>, vector<16xi32>,
      tpu.vector_store_idx %arg10[%get3A_199], %broadcast_in_dim3A_49 {add = true} : memref<10240xf32, #tpu.memory_space<vmem>>[vector<16xi32>], vector<16xf32>,
      %get3A_200 = arith.constant 3 : i32
      %get3A_201 = arith.index_cast %get3A_200 : i32 to index
      %get3A_202 = arith.constant 64 : index
      %get3A_203 = tpu.vector_load %arg8[%get3A_201, %get3A_202] {strides = array<i32>} : memref<4x128xi32, #tpu.memory_space<vmem>>, vector<16xi32>,
      tpu.vector_store_idx %arg10[%get3A_203], %broadcast_in_dim3A_49 {add = true} : memref<10240xf32, #tpu.memory_space<vmem>>[vector<16xi32>], vector<16xf32>,
      %get3A_204 = arith.constant 3 : i32
      %get3A_205 = arith.index_cast %get3A_204 : i32 to index
      %get3A_206 = arith.constant 80 : index
      %get3A_207 = tpu.vector_load %arg8[%get3A_205, %get3A_206] {strides = array<i32>} : memref<4x128xi32, #tpu.memory_space<vmem>>, vector<16xi32>,
      tpu.vector_store_idx %arg10[%get3A_207], %broadcast_in_dim3A_49 {add = true} : memref<10240xf32, #tpu.memory_space<vmem>>[vector<16xi32>], vector<16xf32>,
      %get3A_208 = arith.constant 3 : i32
      %get3A_209 = arith.index_cast %get3A_208 : i32 to index
      %get3A_210 = arith.constant 96 : index
      %get3A_211 = tpu.vector_load %arg8[%get3A_209, %get3A_210] {strides = array<i32>} : memref<4x128xi32, #tpu.memory_space<vmem>>, vector<16xi32>,
      tpu.vector_store_idx %arg10[%get3A_211], %broadcast_in_dim3A_49 {add = true} : memref<10240xf32, #tpu.memory_space<vmem>>[vector<16xi32>], vector<16xf32>,
      %get3A_212 = arith.constant 3 : i32
      %get3A_213 = arith.index_cast %get3A_212 : i32 to index
      %get3A_214 = arith.constant 112 : index
      %get3A_215 = tpu.vector_load %arg8[%get3A_213, %get3A_214] {strides = array<i32>} : memref<4x128xi32, #tpu.memory_space<vmem>>, vector<16xi32>,
      tpu.vector_store_idx %arg10[%get3A_215], %broadcast_in_dim3A_49 {add = true} : memref<10240xf32, #tpu.memory_space<vmem>>[vector<16xi32>], vector<16xf32>,
      %dma_wait3A_216 = arith.constant 0 : i32
      %dma_wait3A_217 = arith.constant 2 : i32
      %dma_wait3A_218 = arith.constant 0 : i32
      %dma_wait3A_219 = arith.constant 0 : i32
      %dma_wait3A_220 = arith.constant 0 : i32
      %dma_wait3A_221 = tpu.memref_slice %arg9[%dma_wait3A_216, %dma_wait3A_219, %dma_wait3A_220] : memref<2x128x128xf32, #tpu.memory_space<vmem>> -> memref<1x128x128xf32, #tpu.memory_space<vmem>>
      %dma_wait3A_222 = tpu.memref_squeeze %dma_wait3A_221 : memref<1x128x128xf32, #tpu.memory_space<vmem>> -> memref<128x128xf32, #tpu.memory_space<vmem>>
      %dma_wait3A_223 = arith.constant 0 : i32
      %dma_wait3A_224 = tpu.memref_slice %arg8[%dma_wait3A_217, %dma_wait3A_223] : memref<4x128xi32, #tpu.memory_space<vmem>> -> memref<1x128xi32, #tpu.memory_space<vmem>>
      %dma_wait3A_225 = tpu.memref_squeeze %dma_wait3A_224 : memref<1x128xi32, #tpu.memory_space<vmem>> -> memref<128xi32, #tpu.memory_space<vmem>>
      %dma_wait3A_226 = arith.constant 0 : i32
      %dma_wait3A_227 = arith.constant 0 : i32
      %dma_wait3A_228 = tpu.memref_slice %arg11[%dma_wait3A_226, %dma_wait3A_227] : memref<10240x128xf32, #tpu.memory_space<vmem_shared>> -> memref<10240x128xf32, #tpu.memory_space<vmem_shared>>
      %dma_wait3A_229 = tpu.memref_slice %arg13[%dma_wait3A_218] : memref<2x!tpu.dma_semaphore, #tpu.memory_space<semaphore_mem>> -> memref<1x!tpu.dma_semaphore, #tpu.memory_space<semaphore_mem>>
      %dma_wait3A_230 = tpu.memref_squeeze %dma_wait3A_229 : memref<1x!tpu.dma_semaphore, #tpu.memory_space<semaphore_mem>> -> memref<!tpu.dma_semaphore, #tpu.memory_space<semaphore_mem>>
      tpu.wait_indirect_dma semaphore(%dma_wait3A_230 : memref<!tpu.dma_semaphore, #tpu.memory_space<semaphore_mem>>) src(%dma_wait3A_222 : memref<128x128xf32, #tpu.memory_space<vmem>>) dst(%dma_wait3A_228 : memref<10240x128xf32, #tpu.memory_space<vmem_shared>>)
      %dma_wait3A_231 = arith.constant 1 : i32
      %dma_wait3A_232 = arith.constant 3 : i32
      %dma_wait3A_233 = arith.constant 1 : i32
      %dma_wait3A_234 = arith.constant 0 : i32
      %dma_wait3A_235 = arith.constant 0 : i32
      %dma_wait3A_236 = tpu.memref_slice %arg9[%dma_wait3A_231, %dma_wait3A_234, %dma_wait3A_235] : memref<2x128x128xf32, #tpu.memory_space<vmem>> -> memref<1x128x128xf32, #tpu.memory_space<vmem>>
      %dma_wait3A_237 = tpu.memref_squeeze %dma_wait3A_236 : memref<1x128x128xf32, #tpu.memory_space<vmem>> -> memref<128x128xf32, #tpu.memory_space<vmem>>
      %dma_wait3A_238 = arith.constant 0 : i32
      %dma_wait3A_239 = tpu.memref_slice %arg8[%dma_wait3A_232, %dma_wait3A_238] : memref<4x128xi32, #tpu.memory_space<vmem>> -> memref<1x128xi32, #tpu.memory_space<vmem>>
      %dma_wait3A_240 = tpu.memref_squeeze %dma_wait3A_239 : memref<1x128xi32, #tpu.memory_space<vmem>> -> memref<128xi32, #tpu.memory_space<vmem>>
      %dma_wait3A_241 = arith.constant 0 : i32
      %dma_wait3A_242 = arith.constant 0 : i32
      %dma_wait3A_243 = tpu.memref_slice %arg11[%dma_wait3A_241, %dma_wait3A_242] : memref<10240x128xf32, #tpu.memory_space<vmem_shared>> -> memref<10240x128xf32, #tpu.memory_space<vmem_shared>>
      %dma_wait3A_244 = tpu.memref_slice %arg13[%dma_wait3A_233] : memref<2x!tpu.dma_semaphore, #tpu.memory_space<semaphore_mem>> -> memref<1x!tpu.dma_semaphore, #tpu.memory_space<semaphore_mem>>
      %dma_wait3A_245 = tpu.memref_squeeze %dma_wait3A_244 : memref<1x!tpu.dma_semaphore, #tpu.memory_space<semaphore_mem>> -> memref<!tpu.dma_semaphore, #tpu.memory_space<semaphore_mem>>
      tpu.wait_indirect_dma semaphore(%dma_wait3A_245 : memref<!tpu.dma_semaphore, #tpu.memory_space<semaphore_mem>>) src(%dma_wait3A_237 : memref<128x128xf32, #tpu.memory_space<vmem>>) dst(%dma_wait3A_243 : memref<10240x128xf32, #tpu.memory_space<vmem_shared>>)
    }
    %barrier3A_58 = arith.constant 0 : index
    tpu.barrier barrier_id(%barrier3A_58)
    %mul3A_59 = arith.constant 640 : i32
    %mul3A_60 = arith.muli %arg1, %mul3A_59 : i32
    "tpu.region"() ({
      %run_scoped3A = tpu.sem_alloc : memref<!tpu.dma_semaphore, #tpu.memory_space<semaphore_mem>>
      %dma_start3A = arith.constant 0 : i32
      %dma_start3A_64 = tpu.memref_slice %arg6[%arg0, %mul3A_60, %dma_start3A] : memref<2x10240x128xf32, #tpu.memory_space<hbm>> -> memref<1x640x128xf32, #tpu.memory_space<hbm>>
      %dma_start3A_65 = tpu.memref_squeeze %dma_start3A_64 : memref<1x640x128xf32, #tpu.memory_space<hbm>> -> memref<640x128xf32, #tpu.memory_space<hbm>>
      %dma_start3A_66 = arith.constant 0 : i32
      %dma_start3A_67 = tpu.memref_slice %arg11[%mul3A_60, %dma_start3A_66] : memref<10240x128xf32, #tpu.memory_space<vmem_shared>> -> memref<640x128xf32, #tpu.memory_space<vmem_shared>>
      tpu.enqueue_dma source(%dma_start3A_67 : memref<640x128xf32, #tpu.memory_space<vmem_shared>>) target(%dma_start3A_65 : memref<640x128xf32, #tpu.memory_space<hbm>>) target_semaphore(%run_scoped3A : memref<!tpu.dma_semaphore, #tpu.memory_space<semaphore_mem>>)
      %dma_wait3A = arith.constant 0 : i32
      %dma_wait3A_68 = tpu.memref_slice %arg6[%arg0, %mul3A_60, %dma_wait3A] : memref<2x10240x128xf32, #tpu.memory_space<hbm>> -> memref<1x640x128xf32, #tpu.memory_space<hbm>>
      %dma_wait3A_69 = tpu.memref_squeeze %dma_wait3A_68 : memref<1x640x128xf32, #tpu.memory_space<hbm>> -> memref<640x128xf32, #tpu.memory_space<hbm>>
      %dma_wait3A_70 = arith.constant 0 : i32
      %dma_wait3A_71 = tpu.memref_slice %arg11[%mul3A_60, %dma_wait3A_70] : memref<10240x128xf32, #tpu.memory_space<vmem_shared>> -> memref<640x128xf32, #tpu.memory_space<vmem_shared>>
      tpu.wait_dma2 semaphore(%run_scoped3A : memref<!tpu.dma_semaphore, #tpu.memory_space<semaphore_mem>>) src(%dma_wait3A_71 : memref<640x128xf32, #tpu.memory_space<vmem_shared>>) dst(%dma_wait3A_69 : memref<640x128xf32, #tpu.memory_space<hbm>>)
      tpu.yield
    }) : () -> ()
    %mul3A_61 = arith.constant 16 : i32
    %mul3A_62 = arith.muli %arg0, %mul3A_61 : i32
    %add3A_63 = arith.addi %mul3A_62, %arg1 : i32
    "tpu.region"() ({
      %run_scoped3A = tpu.sem_alloc : memref<!tpu.dma_semaphore, #tpu.memory_space<semaphore_mem>>
      %dma_start3A = arith.constant 0 : i32
      %dma_start3A_64 = tpu.memref_slice %arg7[%add3A_63, %dma_start3A] : memref<32x10240xf32, #tpu.memory_space<hbm>> -> memref<1x10240xf32, #tpu.memory_space<hbm>>
      %dma_start3A_65 = tpu.memref_squeeze %dma_start3A_64 : memref<1x10240xf32, #tpu.memory_space<hbm>> -> memref<10240xf32, #tpu.memory_space<hbm>>
      %dma_start3A_66 = arith.constant 0 : i32
      %dma_start3A_67 = tpu.memref_slice %arg7[%add3A_63, %dma_start3A_66] : memref<32x10240xf32, #tpu.memory_space<hbm>> -> memref<1x10240xf32, #tpu.memory_space<hbm>>
      %dma_start3A_68 = tpu.memref_squeeze %dma_start3A_67 : memref<1x10240xf32, #tpu.memory_space<hbm>> -> memref<10240xf32, #tpu.memory_space<hbm>>
      tpu.enqueue_dma source(%arg10 : memref<10240xf32, #tpu.memory_space<vmem>>) target(%dma_start3A_68 : memref<10240xf32, #tpu.memory_space<hbm>>) target_semaphore(%run_scoped3A : memref<!tpu.dma_semaphore, #tpu.memory_space<semaphore_mem>>)
      %dma_wait3A = arith.constant 0 : i32
      %dma_wait3A_69 = tpu.memref_slice %arg7[%add3A_63, %dma_wait3A] : memref<32x10240xf32, #tpu.memory_space<hbm>> -> memref<1x10240xf32, #tpu.memory_space<hbm>>
      %dma_wait3A_70 = tpu.memref_squeeze %dma_wait3A_69 : memref<1x10240xf32, #tpu.memory_space<hbm>> -> memref<10240xf32, #tpu.memory_space<hbm>>
      %dma_wait3A_71 = arith.constant 0 : i32
      %dma_wait3A_72 = tpu.memref_slice %arg7[%add3A_63, %dma_wait3A_71] : memref<32x10240xf32, #tpu.memory_space<hbm>> -> memref<1x10240xf32, #tpu.memory_space<hbm>>
      %dma_wait3A_73 = tpu.memref_squeeze %dma_wait3A_72 : memref<1x10240xf32, #tpu.memory_space<hbm>> -> memref<10240xf32, #tpu.memory_space<hbm>>
      tpu.wait_dma2 semaphore(%run_scoped3A : memref<!tpu.dma_semaphore, #tpu.memory_space<semaphore_mem>>) src(%arg10 : memref<10240xf32, #tpu.memory_space<vmem>>) dst(%dma_wait3A_73 : memref<10240xf32, #tpu.memory_space<hbm>>)
      tpu.yield
    }) : () -> ()
    return
  }
}

module attributes {stable_mosaic.version = 14 : i64} {
  func.func @_tcdeg_body(%arg0: memref<32x10240xf32, #tpu.memory_space<vmem>>, %arg1: memref<10240x1xf32, #tpu.memory_space<vmem>>) attributes {dimension_semantics = [], scalar_prefetch = 0 : i64, scratch_operands = 0 : i64, tpu.core_type = #tpu.core_type<tc>} {
    %get3A = arith.constant 0 : index
    %get3A_0 = arith.constant 0 : index
    %get3A_1 = vector.load %arg0[%get3A, %get3A_0] : memref<32x10240xf32, #tpu.memory_space<vmem>>, vector<32x10240xf32>
    %reduce_sum3A = arith.constant dense<0.000000e+00> : vector<10240xf32>
    %reduce_sum3A_2 = vector.multi_reduction <add>, %get3A_1, %reduce_sum3A [0] : vector<32x10240xf32> to vector<10240xf32>
    %max3A = arith.constant 1.000000e+00 : f32
    %max3A_3 = vector.broadcast %max3A : f32 to vector<10240xf32>
    %max3A_4 = arith.maximumf %reduce_sum3A_2, %max3A_3 : vector<10240xf32>
    %div3A = arith.constant 1.000000e+00 : f32
    %div3A_5 = vector.broadcast %div3A : f32 to vector<10240xf32>
    %div3A_6 = arith.divf %div3A_5, %max3A_4 : vector<10240xf32>
    %broadcast_in_dim3A = vector.shape_cast %div3A_6 : vector<10240xf32> to vector<10240x1xf32>
    %swap3A = arith.constant 0 : index
    %swap3A_7 = arith.constant 0 : index
    %swap3A_8 = vector.load %arg1[%swap3A, %swap3A_7] : memref<10240x1xf32, #tpu.memory_space<vmem>>, vector<10240x1xf32>
    tpu.vector_store %arg1[%swap3A, %swap3A_7], %broadcast_in_dim3A {strides = array<i32>} : memref<10240x1xf32, #tpu.memory_space<vmem>>, vector<10240x1xf32>,
    return
  }
}

module attributes {stable_mosaic.version = 14 : i64} {
  func.func @_tc1_body(%arg0: i32, %arg1: memref<1000x128xf32, #tpu.memory_space<vmem>>, %arg2: memref<1x1000x128xf32, #tpu.memory_space<vmem>>, %arg3: memref<1x1000x128xf32, #tpu.memory_space<vmem>>, %arg4: memref<1000x1xf32, #tpu.memory_space<vmem>>, %arg5: memref<128x256xf32, #tpu.memory_space<vmem>>, %arg6: memref<1x256xf32, #tpu.memory_space<vmem>>, %arg7: memref<128x256xf32, #tpu.memory_space<vmem>>, %arg8: memref<1000x128xf32, #tpu.memory_space<vmem>>, %arg9: memref<1000x128xf32, #tpu.memory_space<vmem>>) attributes {dimension_semantics = [#tpu.dimension_semantics<arbitrary>], iteration_bounds = array<i64: 10>, scalar_prefetch = 0 : i64, scratch_operands = 0 : i64, tpu.core_type = #tpu.core_type<tc>, window_params = [{transform_indices = @transform_0, window_bounds = array<i64: 1000, 128>}, {transform_indices = @transform_1, window_bounds = array<i64: 1, 1000, 128>}, {transform_indices = @transform_2, window_bounds = array<i64: 1, 1000, 128>}, {transform_indices = @transform_3, window_bounds = array<i64: 1000, 1>}, {pipeline_mode = #tpu.pipeline_mode<synchronous>, transform_indices = @transform_4, window_bounds = array<i64: 128, 256>}, {pipeline_mode = #tpu.pipeline_mode<synchronous>, transform_indices = @transform_5, window_bounds = array<i64: 1, 256>}, {pipeline_mode = #tpu.pipeline_mode<synchronous>, transform_indices = @transform_6, window_bounds = array<i64: 128, 256>}, {transform_indices = @transform_7, window_bounds = array<i64: 1000, 128>}, {transform_indices = @transform_8, window_bounds = array<i64: 1000, 128>}]} {
    %get3A = arith.constant 0 : index
    %get3A_0 = arith.constant 0 : index
    %get3A_1 = arith.constant 0 : index
    %get3A_2 = vector.load %arg2[%get3A, %get3A_0, %get3A_1] : memref<1x1000x128xf32, #tpu.memory_space<vmem>>, vector<1x1000x128xf32>
    %squeeze3A = vector.shape_cast %get3A_2 : vector<1x1000x128xf32> to vector<1000x128xf32>
    %get3A_3 = arith.constant 0 : index
    %get3A_4 = arith.constant 0 : index
    %get3A_5 = arith.constant 0 : index
    %get3A_6 = vector.load %arg3[%get3A_3, %get3A_4, %get3A_5] : memref<1x1000x128xf32, #tpu.memory_space<vmem>>, vector<1x1000x128xf32>
    %squeeze3A_7 = vector.shape_cast %get3A_6 : vector<1x1000x128xf32> to vector<1000x128xf32>
    %add3A = arith.addf %squeeze3A, %squeeze3A_7 : vector<1000x128xf32>
    %get3A_8 = arith.constant 0 : index
    %get3A_9 = arith.constant 0 : index
    %get3A_10 = vector.load %arg4[%get3A_8, %get3A_9] : memref<1000x1xf32, #tpu.memory_space<vmem>>, vector<1000x1xf32>
    %mul3A = vector.broadcast %get3A_10 : vector<1000x1xf32> to vector<1000x128xf32>
    %mul3A_11 = arith.mulf %add3A, %mul3A : vector<1000x128xf32>
    %get3A_12 = arith.constant 0 : index
    %get3A_13 = arith.constant 0 : index
    %get3A_14 = vector.load %arg5[%get3A_12, %get3A_13] : memref<128x256xf32, #tpu.memory_space<vmem>>, vector<128x256xf32>
    %dot_general3A = arith.constant dense<0.000000e+00> : vector<1000x256xf32>
    %dot_general3A_15 = tpu.matmul %mul3A_11, %get3A_14, %dot_general3A {dimension_numbers = #tpu.dot_dimension_numbers<[1], [0], [0], [1], [0, 0, 1, 1], [], []>, transpose_lhs_hint = false} : vector<1000x128xf32>, vector<128x256xf32>, vector<1000x256xf32> -> vector<1000x256xf32>
    %get3A_16 = arith.constant 0 : index
    %get3A_17 = arith.constant 0 : index
    %get3A_18 = vector.load %arg1[%get3A_16, %get3A_17] : memref<1000x128xf32, #tpu.memory_space<vmem>>, vector<1000x128xf32>
    %get3A_19 = arith.constant 0 : index
    %get3A_20 = arith.constant 0 : index
    %get3A_21 = vector.load %arg7[%get3A_19, %get3A_20] : memref<128x256xf32, #tpu.memory_space<vmem>>, vector<128x256xf32>
    %dot_general3A_22 = arith.constant dense<0.000000e+00> : vector<1000x256xf32>
    %dot_general3A_23 = tpu.matmul %get3A_18, %get3A_21, %dot_general3A_22 {dimension_numbers = #tpu.dot_dimension_numbers<[1], [0], [0], [1], [0, 0, 1, 1], [], []>, transpose_lhs_hint = false} : vector<1000x128xf32>, vector<128x256xf32>, vector<1000x256xf32> -> vector<1000x256xf32>
    %add3A_24 = arith.addf %dot_general3A_15, %dot_general3A_23 : vector<1000x256xf32>
    %get3A_25 = arith.constant 0 : index
    %get3A_26 = arith.constant 0 : index
    %get3A_27 = vector.load %arg6[%get3A_25, %get3A_26] : memref<1x256xf32, #tpu.memory_space<vmem>>, vector<1x256xf32>
    %add3A_28 = vector.broadcast %get3A_27 : vector<1x256xf32> to vector<1000x256xf32>
    %add3A_29 = arith.addf %add3A_24, %add3A_28 : vector<1000x256xf32>
    %max3A = arith.constant 0.000000e+00 : f32
    %max3A_30 = vector.broadcast %max3A : f32 to vector<1000x256xf32>
    %max3A_31 = arith.maximumf %add3A_29, %max3A_30 : vector<1000x256xf32>
    %slice3A = vector.extract_strided_slice %max3A_31 {offsets = [0, 0], sizes = [1000, 128], strides = [1, 1]} : vector<1000x256xf32> to vector<1000x128xf32>
    %swap3A = arith.constant 0 : index
    %swap3A_32 = arith.constant 0 : index
    %swap3A_33 = vector.load %arg8[%swap3A, %swap3A_32] : memref<1000x128xf32, #tpu.memory_space<vmem>>, vector<1000x128xf32>
    tpu.vector_store %arg8[%swap3A, %swap3A_32], %slice3A {strides = array<i32>} : memref<1000x128xf32, #tpu.memory_space<vmem>>, vector<1000x128xf32>,
    %slice3A_34 = vector.extract_strided_slice %max3A_31 {offsets = [0, 128], sizes = [1000, 128], strides = [1, 1]} : vector<1000x256xf32> to vector<1000x128xf32>
    %swap3A_35 = arith.constant 0 : index
    %swap3A_36 = arith.constant 0 : index
    %swap3A_37 = vector.load %arg9[%swap3A_35, %swap3A_36] : memref<1000x128xf32, #tpu.memory_space<vmem>>, vector<1000x128xf32>
    tpu.vector_store %arg9[%swap3A_35, %swap3A_36], %slice3A_34 {strides = array<i32>} : memref<1000x128xf32, #tpu.memory_space<vmem>>, vector<1000x128xf32>,
    return
  }
  func.func @transform_0(%arg0: i32) -> (i32, i32) {
    %c0_i32 = arith.constant 0 : i32
    %c0_i32_0 = arith.constant 0 : i32
    return %arg0, %c0_i32 : i32, i32
  }
  func.func @transform_1(%arg0: i32) -> (i32, i32, i32) {
    %c0_i32 = arith.constant 0 : i32
    %c0_i32_0 = arith.constant 0 : i32
    %c0_i32_1 = arith.constant 0 : i32
    return %c0_i32, %arg0, %c0_i32_0 : i32, i32, i32
  }
  func.func @transform_2(%arg0: i32) -> (i32, i32, i32) {
    %c1_i32 = arith.constant 1 : i32
    %c0_i32 = arith.constant 0 : i32
    %c0_i32_0 = arith.constant 0 : i32
    return %c1_i32, %arg0, %c0_i32 : i32, i32, i32
  }
  func.func @transform_3(%arg0: i32) -> (i32, i32) {
    %c0_i32 = arith.constant 0 : i32
    %c0_i32_0 = arith.constant 0 : i32
    return %arg0, %c0_i32 : i32, i32
  }
  func.func @transform_4(%arg0: i32) -> (i32, i32) {
    %c0_i32 = arith.constant 0 : i32
    %c0_i32_0 = arith.constant 0 : i32
    %c0_i32_1 = arith.constant 0 : i32
    return %c0_i32, %c0_i32_0 : i32, i32
  }
  func.func @transform_5(%arg0: i32) -> (i32, i32) {
    %c0_i32 = arith.constant 0 : i32
    %c0_i32_0 = arith.constant 0 : i32
    %c0_i32_1 = arith.constant 0 : i32
    return %c0_i32, %c0_i32_0 : i32, i32
  }
  func.func @transform_6(%arg0: i32) -> (i32, i32) {
    %c0_i32 = arith.constant 0 : i32
    %c0_i32_0 = arith.constant 0 : i32
    %c0_i32_1 = arith.constant 0 : i32
    return %c0_i32, %c0_i32_0 : i32, i32
  }
  func.func @transform_7(%arg0: i32) -> (i32, i32) {
    %c0_i32 = arith.constant 0 : i32
    %c0_i32_0 = arith.constant 0 : i32
    return %arg0, %c0_i32 : i32, i32
  }
  func.func @transform_8(%arg0: i32) -> (i32, i32) {
    %c0_i32 = arith.constant 0 : i32
    %c0_i32_0 = arith.constant 0 : i32
    return %arg0, %c0_i32 : i32, i32
  }
}

module attributes {stable_mosaic.version = 14 : i64} {
  func.func @_tc2_body(%arg0: i32, %arg1: memref<1x1000x128xf32, #tpu.memory_space<vmem>>, %arg2: memref<1x1000x128xf32, #tpu.memory_space<vmem>>, %arg3: memref<1000x1xf32, #tpu.memory_space<vmem>>, %arg4: memref<1000x128xf32, #tpu.memory_space<vmem>>, %arg5: memref<1000x128xf32, #tpu.memory_space<vmem>>, %arg6: memref<256x256xf32, #tpu.memory_space<vmem>>, %arg7: memref<1x256xf32, #tpu.memory_space<vmem>>, %arg8: memref<256x256xf32, #tpu.memory_space<vmem>>, %arg9: memref<1000x256xf32, #tpu.memory_space<vmem>>) attributes {dimension_semantics = [#tpu.dimension_semantics<arbitrary>], iteration_bounds = array<i64: 10>, scalar_prefetch = 0 : i64, scratch_operands = 0 : i64, tpu.core_type = #tpu.core_type<tc>, window_params = [{transform_indices = @transform_0, window_bounds = array<i64: 1, 1000, 128>}, {transform_indices = @transform_1, window_bounds = array<i64: 1, 1000, 128>}, {transform_indices = @transform_2, window_bounds = array<i64: 1000, 1>}, {transform_indices = @transform_3, window_bounds = array<i64: 1000, 128>}, {transform_indices = @transform_4, window_bounds = array<i64: 1000, 128>}, {pipeline_mode = #tpu.pipeline_mode<synchronous>, transform_indices = @transform_5, window_bounds = array<i64: 256, 256>}, {pipeline_mode = #tpu.pipeline_mode<synchronous>, transform_indices = @transform_6, window_bounds = array<i64: 1, 256>}, {pipeline_mode = #tpu.pipeline_mode<synchronous>, transform_indices = @transform_7, window_bounds = array<i64: 256, 256>}, {transform_indices = @transform_8, window_bounds = array<i64: 1000, 256>}]} {
    %get3A = arith.constant 0 : index
    %get3A_0 = arith.constant 0 : index
    %get3A_1 = arith.constant 0 : index
    %get3A_2 = vector.load %arg1[%get3A, %get3A_0, %get3A_1] : memref<1x1000x128xf32, #tpu.memory_space<vmem>>, vector<1x1000x128xf32>
    %squeeze3A = vector.shape_cast %get3A_2 : vector<1x1000x128xf32> to vector<1000x128xf32>
    %get3A_3 = arith.constant 0 : index
    %get3A_4 = arith.constant 0 : index
    %get3A_5 = arith.constant 0 : index
    %get3A_6 = vector.load %arg2[%get3A_3, %get3A_4, %get3A_5] : memref<1x1000x128xf32, #tpu.memory_space<vmem>>, vector<1x1000x128xf32>
    %squeeze3A_7 = vector.shape_cast %get3A_6 : vector<1x1000x128xf32> to vector<1000x128xf32>
    %concatenate3A = tpu.concatenate %squeeze3A, %squeeze3A_7 in 1 : vector<1000x128xf32>, vector<1000x128xf32> -> vector<1000x256xf32>
    %get3A_8 = arith.constant 0 : index
    %get3A_9 = arith.constant 0 : index
    %get3A_10 = vector.load %arg3[%get3A_8, %get3A_9] : memref<1000x1xf32, #tpu.memory_space<vmem>>, vector<1000x1xf32>
    %mul3A = vector.broadcast %get3A_10 : vector<1000x1xf32> to vector<1000x256xf32>
    %mul3A_11 = arith.mulf %concatenate3A, %mul3A : vector<1000x256xf32>
    %get3A_12 = arith.constant 0 : index
    %get3A_13 = arith.constant 0 : index
    %get3A_14 = vector.load %arg4[%get3A_12, %get3A_13] : memref<1000x128xf32, #tpu.memory_space<vmem>>, vector<1000x128xf32>
    %get3A_15 = arith.constant 0 : index
    %get3A_16 = arith.constant 0 : index
    %get3A_17 = vector.load %arg5[%get3A_15, %get3A_16] : memref<1000x128xf32, #tpu.memory_space<vmem>>, vector<1000x128xf32>
    %concatenate3A_18 = tpu.concatenate %get3A_14, %get3A_17 in 1 : vector<1000x128xf32>, vector<1000x128xf32> -> vector<1000x256xf32>
    %get3A_19 = arith.constant 0 : index
    %get3A_20 = arith.constant 0 : index
    %get3A_21 = vector.load %arg6[%get3A_19, %get3A_20] : memref<256x256xf32, #tpu.memory_space<vmem>>, vector<256x256xf32>
    %dot_general3A = arith.constant dense<0.000000e+00> : vector<1000x256xf32>
    %dot_general3A_22 = tpu.matmul %mul3A_11, %get3A_21, %dot_general3A {dimension_numbers = #tpu.dot_dimension_numbers<[1], [0], [0], [1], [0, 0, 1, 1], [], []>, transpose_lhs_hint = false} : vector<1000x256xf32>, vector<256x256xf32>, vector<1000x256xf32> -> vector<1000x256xf32>
    %get3A_23 = arith.constant 0 : index
    %get3A_24 = arith.constant 0 : index
    %get3A_25 = vector.load %arg8[%get3A_23, %get3A_24] : memref<256x256xf32, #tpu.memory_space<vmem>>, vector<256x256xf32>
    %dot_general3A_26 = arith.constant dense<0.000000e+00> : vector<1000x256xf32>
    %dot_general3A_27 = tpu.matmul %concatenate3A_18, %get3A_25, %dot_general3A_26 {dimension_numbers = #tpu.dot_dimension_numbers<[1], [0], [0], [1], [0, 0, 1, 1], [], []>, transpose_lhs_hint = false} : vector<1000x256xf32>, vector<256x256xf32>, vector<1000x256xf32> -> vector<1000x256xf32>
    %add3A = arith.addf %dot_general3A_22, %dot_general3A_27 : vector<1000x256xf32>
    %get3A_28 = arith.constant 0 : index
    %get3A_29 = arith.constant 0 : index
    %get3A_30 = vector.load %arg7[%get3A_28, %get3A_29] : memref<1x256xf32, #tpu.memory_space<vmem>>, vector<1x256xf32>
    %add3A_31 = vector.broadcast %get3A_30 : vector<1x256xf32> to vector<1000x256xf32>
    %add3A_32 = arith.addf %add3A, %add3A_31 : vector<1000x256xf32>
    %swap3A = arith.constant 0 : index
    %swap3A_33 = arith.constant 0 : index
    %swap3A_34 = vector.load %arg9[%swap3A, %swap3A_33] : memref<1000x256xf32, #tpu.memory_space<vmem>>, vector<1000x256xf32>
    tpu.vector_store %arg9[%swap3A, %swap3A_33], %add3A_32 {strides = array<i32>} : memref<1000x256xf32, #tpu.memory_space<vmem>>, vector<1000x256xf32>,
    return
  }
  func.func @transform_0(%arg0: i32) -> (i32, i32, i32) {
    %c0_i32 = arith.constant 0 : i32
    %c0_i32_0 = arith.constant 0 : i32
    %c0_i32_1 = arith.constant 0 : i32
    return %c0_i32, %arg0, %c0_i32_0 : i32, i32, i32
  }
  func.func @transform_1(%arg0: i32) -> (i32, i32, i32) {
    %c1_i32 = arith.constant 1 : i32
    %c0_i32 = arith.constant 0 : i32
    %c0_i32_0 = arith.constant 0 : i32
    return %c1_i32, %arg0, %c0_i32 : i32, i32, i32
  }
  func.func @transform_2(%arg0: i32) -> (i32, i32) {
    %c0_i32 = arith.constant 0 : i32
    %c0_i32_0 = arith.constant 0 : i32
    return %arg0, %c0_i32 : i32, i32
  }
  func.func @transform_3(%arg0: i32) -> (i32, i32) {
    %c0_i32 = arith.constant 0 : i32
    %c0_i32_0 = arith.constant 0 : i32
    return %arg0, %c0_i32 : i32, i32
  }
  func.func @transform_4(%arg0: i32) -> (i32, i32) {
    %c0_i32 = arith.constant 0 : i32
    %c0_i32_0 = arith.constant 0 : i32
    return %arg0, %c0_i32 : i32, i32
  }
  func.func @transform_5(%arg0: i32) -> (i32, i32) {
    %c0_i32 = arith.constant 0 : i32
    %c0_i32_0 = arith.constant 0 : i32
    %c0_i32_1 = arith.constant 0 : i32
    return %c0_i32, %c0_i32_0 : i32, i32
  }
  func.func @transform_6(%arg0: i32) -> (i32, i32) {
    %c0_i32 = arith.constant 0 : i32
    %c0_i32_0 = arith.constant 0 : i32
    %c0_i32_1 = arith.constant 0 : i32
    return %c0_i32, %c0_i32_0 : i32, i32
  }
  func.func @transform_7(%arg0: i32) -> (i32, i32) {
    %c0_i32 = arith.constant 0 : i32
    %c0_i32_0 = arith.constant 0 : i32
    %c0_i32_1 = arith.constant 0 : i32
    return %c0_i32, %c0_i32_0 : i32, i32
  }
  func.func @transform_8(%arg0: i32) -> (i32, i32) {
    %c0_i32 = arith.constant 0 : i32
    %c0_i32_0 = arith.constant 0 : i32
    return %arg0, %c0_i32 : i32, i32
  }
}

</mosaic_0001>

<sc_bundles>
// kernel: kernel.10.cloned.1.call-start
scs
__scs_entry_jumppad:
0x0: {  	(pc) =	sbr.rel $0x88, $3  }
0x1: {  	(tag) =	ssettag $0x0;
	lr =	simm.s32 $0x1  }
0x2: {  	[smem:$0x3F99] =	sst lr;
	_ =	strace $0xD0000000  }
0x3: {  	_ = 	snop  }
0x4: {  	_ = 	snop  }
0x5: {  	_ = 	snop  }
0x6: {  	_ = 	snop  }
0x7: {  	_ = 	snop  }
__scs_overlays_trampoline_lowered:
0x8: {  	[smem:$0x3FA8] =	sst s0  }
0x9: {  	[smem:$0x3FA9] =	sst s1  }
0xa: {  	[smem:$0x3FAA] =	sst s2  }
0xb: {  	[smem:$0x3FAB] =	sst s3  }
0xc: {  	[smem:$0x3FAC] =	sst s4  }
0xd: {  	[smem:$0x3FAD] =	sst s5  }
0xe: {  	[smem:$0x3FAE] =	sst s6  }
0xf: {  	[smem:$0x3FAF] =	sst s7  }
0x10: {  	[smem:$0x3FB0] =	sst s8  }
0x11: {  	[smem:$0x3FB1] =	sst s9;
	s0 =	simm.s32 @!p0 $0x0  }
0x12: {  	s1 =	sld [smem:$0x3F97];
	s0 =	simm.s32 @p0 $0x1  }
0x13: {  	[smem:$0x3FB2] =	sst s0;
	s0 =	simm.s32 @!p1 $0x0  }
0x14: {  	s2 =	sld [smem:$0x3F96];
	s0 =	simm.s32 @p1 $0x1  }
0x15: {  	[smem:$0x3FB3] =	sst s0;
	s0 =	simm.s32 @!p2 $0x0  }
0x16: {  	s3 =	sld [smem:$0x3FDB];
	s0 =	simm.s32 @p2 $0x1  }
0x17: {  	s4 =	simm.s32 $0x1BF5;
	[smem:$0x3FB5] =	sst s0  }
0x18: {  	s0 =	sld [smem:$0x3F98];
	_ =	swait.ge [sflag:s4], $0x0  }
0x19: {  	s7 =	sld [smem:$0x3F99]  }
0x1a: {  	s8 =	sadd.s32 $0xFFFFE003, lr  }
0x1b: {  	s9 =	sadd.s32 $0xFFFFFEF7, lr;
	s5 =	simm.s32 $0xFFFFFFFF;
	p2 =	slt.u32 s8, $0xFFFFF086  }
0x1c: {  	p1 =	slt.u32 s9, $0xF7A;
	s5 =	simm.s32 @!p2 $0x0  }
0x1d: {  	s5 =	simm.s32 @p1 $0x1;
	p0 =	seq.s32 s7, s2  }
0x1e: {  	s7 =	smul.u32 @!p0 $0xF7A, s2;
	p2 =	seq.s32 @!p0 s5, $0x0  }
0x1f: {  	s9 =	smul.u32 $0xF7A, s1;
	s8 =	simm.s32 @!p0 $0x1BF5;
	p2 =	por !p2, p0  }
0x20: {  	[sflag:s8] =	ssyncset.s32 @!p0 $0xFFFFF086;
	s6 =	sadd.s32 @!p0 s3, s7;
	s7 =	simm.s32 @!p0 $0x108  }
0x21: {  	s3 =	sadd.s32 s3, s9;
	s6 =	sadd.s32 @!p0 $0x88, s6;
	s7 =	simm.s32 @p2 $0x1082  }
0x22: {  	[simem:s7], [sflag:s8] =	dma.local @!p0 [hbm:s6], $0xF7A  }
0x23: {  	s9 =	sor.u32 $0xD0000000, s2;
	s6 =	simm.s32 $0x108;
	_ =	swait.ge @!p0 [sflag:s8], $0x0  }
0x24: {  	s3 =	sadd.s32 $0x88, s3;
	s6 =	simm.s32 @!p1 $0x1082;
	[sflag:s4] =	ssyncset.s32 $0xFFFFF086  }
0x25: {  	[simem:s6], [sflag:s4] =	dma.local [hbm:s3], $0xF7A  }
0x26: {  	[smem:$0x3F99] =	sst s1;
	(tag) =	ssettag s2;
	_ =	strace s9  }
0x27: {  	s1 =	sld [smem:$0x3FA9]  }
0x28: {  	s2 =	sld [smem:$0x3FAA]  }
0x29: {  	s4 =	sld [smem:$0x3FAC]  }
0x2a: {  	p0 =	seq.s32 s5, $0x0;
	s5 =	sld [smem:$0x3FAD]  }
0x2b: {  	s6 =	sld [smem:$0x3FAE]  }
0x2c: {  	s7 =	sld [smem:$0x3FAF]  }
0x2d: {  	s3 =	simm.s32 $0x108;
	s8 =	sld [smem:$0x3FB0]  }
0x2e: {  	s3 =	simm.s32 @!p0 $0x1082;
	s9 =	sld [smem:$0x3FB1]  }
0x2f: {  	lr =	sadd.s32 s0, s3;
	s0 =	sld [smem:$0x3FA8]  }
0x30: {  	s3 =	sld [smem:$0x3FAB]  }
0x31: {  	[smem:$0x3FB4] =	sst s10  }
0x32: {  	s10 =	sld [smem:$0x3FB2];
	_ =	sdelay $0x3  }
0x33: {  	p0 =	seq.s32 s10, $0x1;
	s10 =	sld [smem:$0x3FB4];
	_ =	sdelay $0x3  }
0x34: {  	[smem:$0x3FB4] =	sst s10  }
0x35: {  	s10 =	sld [smem:$0x3FB3];
	_ =	sdelay $0x3  }
0x36: {  	p1 =	seq.s32 s10, $0x1;
	s10 =	sld [smem:$0x3FB4];
	_ =	sdelay $0x3  }
0x37: {  	[smem:$0x3FB4] =	sst s10  }
0x38: {  	s10 =	sld [smem:$0x3FB5]  }
0x39: {  	_ = 	snop;
	(pc) =	sbr.ind lr, $3  }
0x3a: {  	_ = 	snop  }
0x3b: {  	_ = 	snop  }
0x3c: {  	p2 =	seq.s32 s10, $0x1;
	s10 =	sld [smem:$0x3FB4]  }
0x3d: {  	_ =	shalt  }
0x3e: {  	_ =	shalt  }
0x3f: {  	_ =	shalt  }
0x40: {  	_ =	shalt  }
0x41: {  	_ =	shalt  }
0x42: {  	_ =	shalt  }
0x43: {  	_ =	shalt  }
0x44: {  	_ =	shalt  }
0x45: {  	_ =	shalt  }
0x46: {  	_ =	shalt  }
0x47: {  	_ =	shalt  }
0x48: {  	_ =	shalt  }
0x49: {  	_ =	shalt  }
0x4a: {  	_ =	shalt  }
0x4b: {  	_ =	shalt  }
0x4c: {  	_ =	shalt  }
0x4d: {  	_ =	shalt  }
0x4e: {  	_ =	shalt  }
0x4f: {  	_ =	shalt  }
0x50: {  	_ =	shalt  }
0x51: {  	_ =	shalt  }
0x52: {  	_ =	shalt  }
0x53: {  	_ =	shalt  }
0x54: {  	_ =	shalt  }
0x55: {  	_ =	shalt  }
0x56: {  	_ =	shalt  }
0x57: {  	_ =	shalt  }
0x58: {  	_ =	shalt  }
0x59: {  	_ =	shalt  }
0x5a: {  	_ =	shalt  }
0x5b: {  	_ =	shalt  }
0x5c: {  	_ =	shalt  }
0x5d: {  	_ =	shalt  }
0x5e: {  	_ =	shalt  }
0x5f: {  	_ =	shalt  }
0x60: {  	_ =	shalt  }
0x61: {  	_ =	shalt  }
0x62: {  	_ =	shalt  }
0x63: {  	_ =	shalt  }
0x64: {  	_ =	shalt  }
0x65: {  	_ =	shalt  }
0x66: {  	_ =	shalt  }
0x67: {  	_ =	shalt  }
0x68: {  	_ =	shalt  }
0x69: {  	_ =	shalt  }
0x6a: {  	_ =	shalt  }
0x6b: {  	_ =	shalt  }
0x6c: {  	_ =	shalt  }
0x6d: {  	_ =	shalt  }
0x6e: {  	_ =	shalt  }
0x6f: {  	_ =	shalt  }
0x70: {  	_ =	shalt  }
0x71: {  	_ =	shalt  }
0x72: {  	_ =	shalt  }
0x73: {  	_ =	shalt  }
0x74: {  	_ =	shalt  }
0x75: {  	_ =	shalt  }
0x76: {  	_ =	shalt  }
0x77: {  	_ =	shalt  }
0x78: {  	_ =	shalt  }
0x79: {  	_ =	shalt  }
0x7a: {  	_ =	shalt  }
0x7b: {  	_ =	shalt  }
0x7c: {  	_ =	shalt  }
0x7d: {  	_ =	shalt  }
0x7e: {  	_ =	shalt  }
0x7f: {  	_ =	shalt  }
0x80: {  	_ =	shalt  }
0x81: {  	_ =	shalt  }
0x82: {  	_ =	shalt  }
0x83: {  	_ =	shalt  }
0x84: {  	_ =	shalt  }
0x85: {  	_ =	shalt  }
0x86: {  	_ =	shalt  }
0x87: {  	_ =	shalt  }
.Lfunc_end0:
.L_simem_size_0:
called_computation.1_lowered:
.L_overlay_start_0:
0x88: {  	s2 =	sld [smem:$0x3FD9]  }
0x89: {  	s3 =	sld [smem:$0x3FFE];
	_ =	sdelay $0x1  }
0x8a: {  	s1 =	srdreg.scid  }
0x8b: {  	s0 =	sand.u32 $0x1, s1  }
0x8c: {  	s17 =	sshll.u32 s0, $0xA;
	s2 =	sadd.s32 s3, s2  }
0x8d: {  	s2 =	sadd.s32 s2, s17  }
0x8e: {  	[smem:$0x3FC0] =	sst s2  }
0x8f: {  	_ = 	snop  }
0x90: {  	s2 =	sld [smem:$0x3FD0];
	(tm) =	ssettm $0x1  }
0x91: {  	s18 =	sld [smem:$0x3FFB];
	_ =	sdelay $0x3  }
0x92: {  	_ =	strace s18  }
0x93: {  	s3 =	sld [smem:$0x3FFC];
	_ =	sdelay $0x3  }
0x94: {  	_ =	strace s3  }
0x95: {  	s3 =	sld [smem:$0x3FFD];
	_ =	sdelay $0x3  }
0x96: {  	_ =	strace s3  }
0x97: {  	_ =	strace $0x8FFFFFFF  }
0x98: {  	s19 =	sld [smem:$0x3FDB];
	_ =	sdelay $0x1  }
0x99: {  	s4 =	simm.s32 $_scs_section_size  }
0x9a: {  	s5 =	simm.s32 $_size__tile_overlayer_lowered;
	s6 =	simm.s32 $_tile_overlayer_lowered  }
0x9b: {  	s22 =	simm.s32 $0x1BFF;
	s21 =	sshll.u32 s6, $0x1;
	s3 =	sadd.s32 s4, s19  }
0x9c: {  	s7 =	simm.s32 $0x0;
	s20 =	sshll.u32 s5, $0x1;
	s5 =	sadd.s32 s21, s3  }
0x9d: {  	[timem:s7], [sflag:s22] =	dma.local [hbm:s5], s20  }
0x9e: {  	_ =	swait.ge [sflag:s22], s20  }
0x9f: {  	s4 =	ssub.s32 $0x0, s20;
	[sflag:s22] =	ssyncset.done $0x0  }
0xa0: {  	[sflag:s22] =	ssyncadd.s32 s4;
	_ =	sdelay $0x1  }
0xa1: {  	s23 =	simm.s32 $0x1B8B  }
0xa2: {  	_ =	swait.ge [sflag:s23], $0x1  }
0xa3: {  	[sflag:s23] =	ssyncset.done $0x0  }
0xa4: {  	s25 =	simm.s32 $0x1B8E;
	s24 =	sld [smem:$0x3FFE];
	[sflag:s23] =	ssyncadd.s32 $0xFFFFFFFF  }
0xa5: {  	s26 =	simm.s32 $execute0_lowered;
	[smem:$0x3FD2] =	sst s25  }
0xa6: {  	s5 =	sshll.u32 s26, $0x1;
	_ =	strace $0x80000049;
	[dreg:$0x1] =	wrdreg $0xFFFFFFFF  }
0xa7: {  	s28 =	simm.s32 $_size_execute0_lowered;
	s3 =	sadd.s32 s3, s5;
	[dreg:$0x0] =	wrdreg $0x0  }
0xa8: {  	s5 =	sshll.u32 s28, $0x1;
	[dreg:$0x2] =	wrdreg s3  }
0xa9: {  	[dreg:$0x3] =	wrdreg s5  }
0xaa: {  	[dreg:$0x4] =	wrdreg $0xC0  }
0xab: {  	_ =	task [dreg:s7], $0x5FFFF  }
0xac: {  	[dreg:$0x1] =	wrdreg $0xFFFFFFFF  }
0xad: {  	[dreg:$0x0] =	wrdreg $0x60  }
0xae: {  	[dreg:$0x2] =	wrdreg s24  }
0xaf: {  	[dreg:$0x3] =	wrdreg s2  }
0xb0: {  	[dreg:$0x4] =	wrdreg $0x82000  }
0xb1: {  	[dreg:$0x5] =	wrdreg $0x9  }
0xb2: {  	_ =	task.clear_ibuf [dreg:s7], $0x6FFFF;
	_ =	strace $0x90000049  }
0xb3: {  	s29 =	simm.s32 $0x9;
	_ =	strace $0x8000004B  }
0xb4: {  	_ =	swait.ge [sflag:s29], $0x1  }
0xb5: {  	[sflag:s29] =	ssyncadd.s32 $0xFFFFFFFF  }
0xb6: {  	_ =	strace $0x9000004B  }
0xb7: {  	_ =	sfence  }
0xb8: {  	s30 =	sld [smem:$0x0];
	_ =	sdelay $0x2  }
0xb9: {  	s31 =	sshll.u32 s1, $0xD;
	s1 =	sshrl.u32 s1, $0x2  }
0xba: {  	s3 =	sand.u32 $0x4000, s31;
	s1 =	sadd.s32 s1, s30  }
0xbb: {  	s0 =	sor.u32 s3, s0;
	s1 =	sshll.u32 s1, $0x11  }
0xbc: {  	s0 =	sor.u32 s1, s0  }
0xbd: {  	s0 =	sadd.s32 $0x8F2B, s0  }
0xbe: {  	[sflag:s0] =	ssyncadd.remote.s32 $0x1  }
0xbf: {  	_ =	sfence.sel $0xFFFF  }
0xc0: {  	[dreg:$0x0] =	wrdreg $0xFFFFFFFF;
	(pc) =	sbr.abs _section_cstart, $3  }
0xc1: {  	[dreg:$0x1] =	wrdreg $0xFFFFFFFF  }
0xc2: {  	_ =	task.clear_ibuf [dreg:s7], $0x2FFFF;
	_ =	strace $0x9FFFFFFF  }
0xc3: {  	(tm) =	ssettm $0x7FFFFFFF  }
tec
execute0_lowered:
.L_overlay_start_1:
0x0: {  	(tag) =	ssettag $0x1  }
0x1: {  	s6 =	rddreg [dreg:$0x0]  }
0x2: {  	s7 =	rddreg [dreg:$0x1]  }
0x3: {  	s2 =	rddreg [dreg:$0x2];
	s1 =	stileid.u32  }
0x4: {  	s0 =	rddreg [dreg:$0x3];
	s3 =	simm.s32 $0x0;
	s4 =	srdreg.scid  }
0x5: {  	s17 =	simm.s32 $0x1;
	s18 =	simm.s32 $0x100;
	s19 =	simm.s32 $0x2  }
0x6: {  	s20 =	simm.s32 $0x180;
	s21 =	simm.s32 $0x3;
	s22 =	simm.s32 $0x4  }
0x7: {  	s23 =	simm.s32 $0x0;
	s8 =	smul.u32 $0x4E2, s1;
	[smem:$0x7FF] =	sst s3  }
0x8: {  	s9 =	sand.u32 $0x1, s4;
	s10 =	smul.u32 $0x14000, s1;
	s4 =	sadd.s32 $0x17400, s6  }
0x9: {  	s13 =	smul.u32 $0x50000, s1;
	s5 =	sadd.s32 $0x3E600, s6;
	s30 =	sshll.u32 s1, $0x6  }
0xa: {  	_ =	strace $0x8000004A;
	s11 =	smul.u32 $0x140000, s9;
	s15 =	ssub.s32 $0x2, s9  }
0xb: {  	p0 =	seq.s32 s9, $0x1;
	s14 =	sshrl.u32 s8, $0x4;
	s16 =	sshrl.u32 s15, $0x1  }
0xc: {  	s13 =	sshrl.u32 s13, $0x2;
	s29 =	sshrl.u32 s10, $0x3;
	s8 =	sadd.s32 $0x4E2, s8  }
0xd: {  	s28 =	sshll.u32 s14, $0x6;
	s11 =	sadd.s32 s10, s11;
	s15 =	ssub.s32 s15, s16  }
0xe: {  	s13 =	sadd.s32 s13, s2;
	s31 =	sshrl.u32 s8, $0x4;
	s16 =	simm.s32 $0x4200  }
.Ltmp0:
0xf: {  	s12 =	sadd.s32 s28, s6;
	s11 =	sshrl.u32 s11, $0x3;
	(pc) =	sbr.rel .LBB2_1-.Ltmp0, $4  }
0x10: {  	s9 =	smax.u32 s15, $0x1;
	s10 =	ssub.s32 s31, s14;
	p1 =	sgt.u32 s31, s14  }
0x11: {  	s14 =	simm.s32 $0x80;
	s15 =	simm.s32 $0x200;
	s11 =	sadd.s32 s11, s6  }
0x12: {  	s6 =	sadd.s32 s7, s29;
	s7 =	sor.u32 $0x1C05, s30;
	s8 =	sadd.s32 $0x65800, s11  }
0x13: {  	s11 =	sadd.s32 $0x3A00, s12;
	s12 =	sshrl.u32 s13, $0x3;
	s13 =	simm.s32 $0x5  }
.LBB2_5:
0x14: {  	[sflag:s22] =	ssyncadd.s32 $0xFFFFC000  }
.LBB2_10:
0x15: {  	s23 =	sadd.s32 $0x1, s23  }
0x16: {  	p2 =	sne.s32 s23, s9  }
.Ltmp1:
0x17: {  	[bflag:$0x0] =	sbarrier.arrive $0xFFFF;
	(pc) =	sbr.rel @!p2 .LBB2_11-.Ltmp1, $4  }
0x18: {  	[hbm:s8], [sflag:s7] =	dma.local [spmem:s12], $0x2800  }
0x19: {  	_ =	swait.ge [sflag:s13], $0x2800  }
0x1a: {  	[sflag:s13] =	ssyncset.done $0x0  }
0x1b: {  	[sflag:s13] =	ssyncadd.s32 $0xFFFFD800  }
.LBB2_1:
0x1c: {  	[spmem:s12], [sflag:s7] =	dma.local [hbm:s6], $0x2800  }
.Ltmp2:
0x1d: {  	_ =	swait.ge [sflag:s13], $0x2800;
	(pc) =	sbr.rel @!p0 .LBB2_2-.Ltmp2, $3  }
0x1e: {  	[sflag:s13] =	ssyncset.done $0x0  }
0x1f: {  	[sflag:s13] =	ssyncadd.s32 $0xFFFFD800  }
0x20: {  	[bflag:$0x0] =	sbarrier.arrive $0xFFFF;
	_ =	sdelay $0x1  }
.Ltmp3:
0x21: {  	(pc) =	sbr.rel @!p1 .LBB2_10-.Ltmp3, $1  }
0x22: {  	_ =	sdelay $0x3  }
0x23: {  	[tilespmem:s3], [sflag:$0x5] =	stream.linear.gather [hbm4b:s11+s3], $0x200, $0x38;
	[tilespmem:$0x1C200] =	vst v63  }
0x24: {  	_ =	swait.ge [sflag:s13], $0x200  }
0x25: {  	[sflag:s13] =	ssyncset.done $0x0  }
0x26: {  	[sflag:s13] =	ssyncadd.s32 $0xFFFFFE00  }
0x27: {  	[tilespmem:s15], [sflag:$0x1] =	stream.indirect.gather [hbm4b:s5+s14], $0x80, s3, s14, $0xb8;
	[tilespmem:$0x1C200] =	vst v63  }
0x28: {  	_ = 	snop  }
0x29: {  	[tilespmem:s16], [sflag:$0x2] =	stream.indirect.gather [hbm4b:s5+s14], $0x80, s14, s14, $0xb8;
	[tilespmem:$0x1C200] =	vst v63  }
0x2a: {  	_ =	swait.ge [sflag:s17], $0x4000  }
0x2b: {  	[sflag:s17] =	ssyncset.done $0x0  }
0x2c: {  	[sflag:s17] =	ssyncadd.s32 $0xFFFFC000  }
0x2d: {  	[spmem:s2] =	stream.indirect.scatter.add.f32 [tilespmem:s15], [sflag:$0x3], $0x80, s18, s14, $0xb8;
	[tilespmem:$0x1C200] =	vst v63  }
0x2e: {  	_ =	swait.ge [sflag:s19], $0x4000  }
0x2f: {  	[sflag:s19] =	ssyncset.done $0x0  }
0x30: {  	p2 =	sne.s32 s10, $0x1;
	[sflag:s19] =	ssyncadd.s32 $0xFFFFC000  }
0x31: {  	[spmem:s2] =	stream.indirect.scatter.add.f32 [tilespmem:s16], [sflag:$0x4], $0x80, s20, s14, $0xb8;
	[tilespmem:$0x1C200] =	vst v63  }
.Ltmp4:
0x32: {  	_ =	swait.ge [sflag:s21], $0x4000;
	(pc) =	sbr.rel @!p2 .LBB2_9-.Ltmp4, $4  }
0x33: {  	[sflag:s21] =	ssyncset.done $0x0  }
0x34: {  	[sflag:s21] =	ssyncadd.s32 $0xFFFFC000  }
0x35: {  	_ =	swait.ge [sflag:s22], $0x4000  }
0x36: {  	s24 =	sadd.s32 $0xFFFFFFFF, s10;
	s25 =	smov.u32 s11;
	[sflag:s22] =	ssyncset.done $0x0  }
.LBB2_8:
0x37: {  	p2 =	sne.s32 s24, $0x1;
	[sflag:s22] =	ssyncadd.s32 $0xFFFFC000;
	s25 =	sadd.s32 $0x40, s25  }
0x38: {  	[tilespmem:s3], [sflag:$0x5] =	stream.linear.gather [hbm4b:s25+s3], $0x200, $0x38;
	[tilespmem:$0x1C200] =	vst v63  }
0x39: {  	s24 =	sadd.s32 $0xFFFFFFFF, s24;
	_ =	swait.ge [sflag:s13], $0x200  }
0x3a: {  	[sflag:s13] =	ssyncset.done $0x0  }
0x3b: {  	[sflag:s13] =	ssyncadd.s32 $0xFFFFFE00  }
0x3c: {  	[tilespmem:s15], [sflag:$0x1] =	stream.indirect.gather [hbm4b:s5+s14], $0x80, s3, s14, $0xb8;
	[tilespmem:$0x1C200] =	vst v63  }
0x3d: {  	_ = 	snop  }
0x3e: {  	[tilespmem:s16], [sflag:$0x2] =	stream.indirect.gather [hbm4b:s5+s14], $0x80, s14, s14, $0xb8;
	[tilespmem:$0x1C200] =	vst v63  }
0x3f: {  	_ =	swait.ge [sflag:s17], $0x4000  }
0x40: {  	[sflag:s17] =	ssyncset.done $0x0  }
0x41: {  	[sflag:s17] =	ssyncadd.s32 $0xFFFFC000  }
0x42: {  	[spmem:s2] =	stream.indirect.scatter.add.f32 [tilespmem:s15], [sflag:$0x3], $0x80, s18, s14, $0xb8;
	[tilespmem:$0x1C200] =	vst v63  }
0x43: {  	_ =	swait.ge [sflag:s19], $0x4000  }
0x44: {  	[sflag:s19] =	ssyncset.done $0x0  }
0x45: {  	[sflag:s19] =	ssyncadd.s32 $0xFFFFC000  }
0x46: {  	[spmem:s2] =	stream.indirect.scatter.add.f32 [tilespmem:s16], [sflag:$0x4], $0x80, s20, s14, $0xb8;
	[tilespmem:$0x1C200] =	vst v63  }
.Ltmp5:
0x47: {  	_ =	swait.ge [sflag:s21], $0x4000;
	(pc) =	sbr.rel @p2 .LBB2_8-.Ltmp5, $4  }
0x48: {  	[sflag:s21] =	ssyncset.done $0x0  }
0x49: {  	[sflag:s21] =	ssyncadd.s32 $0xFFFFC000  }
0x4a: {  	_ =	swait.ge [sflag:s22], $0x4000  }
0x4b: {  	[sflag:s22] =	ssyncset.done $0x0  }
.LBB2_9:
.Ltmp6:
0x4c: {  	(pc) =	sbr.rel .LBB2_10-.Ltmp6, $2  }
0x4d: {  	_ =	sdelay $0x2  }
0x4e: {  	[sflag:s22] =	ssyncadd.s32 $0xFFFFC000  }
.LBB2_2:
.Ltmp7:
0x4f: {  	(pc) =	sbr.rel @!p1 .LBB2_10-.Ltmp7, $1  }
0x50: {  	_ =	sdelay $0x3  }
0x51: {  	[tilespmem:s3], [sflag:$0x5] =	stream.linear.gather [hbm4b:s11+s3], $0x200, $0x38;
	[tilespmem:$0x1C200] =	vst v63  }
0x52: {  	_ =	swait.ge [sflag:s13], $0x200  }
0x53: {  	[sflag:s13] =	ssyncset.done $0x0  }
0x54: {  	[sflag:s13] =	ssyncadd.s32 $0xFFFFFE00  }
0x55: {  	[tilespmem:s15], [sflag:$0x1] =	stream.indirect.gather [hbm4b:s4+s14], $0x80, s3, s14, $0xb8;
	[tilespmem:$0x1C200] =	vst v63  }
0x56: {  	_ = 	snop  }
0x57: {  	[tilespmem:s16], [sflag:$0x2] =	stream.indirect.gather [hbm4b:s4+s14], $0x80, s14, s14, $0xb8;
	[tilespmem:$0x1C200] =	vst v63  }
0x58: {  	_ =	swait.ge [sflag:s17], $0x4000  }
0x59: {  	[sflag:s17] =	ssyncset.done $0x0  }
0x5a: {  	[sflag:s17] =	ssyncadd.s32 $0xFFFFC000  }
0x5b: {  	[spmem:s2] =	stream.indirect.scatter.add.f32 [tilespmem:s15], [sflag:$0x3], $0x80, s18, s14, $0xb8;
	[tilespmem:$0x1C200] =	vst v63  }
0x5c: {  	_ =	swait.ge [sflag:s19], $0x4000  }
0x5d: {  	[sflag:s19] =	ssyncset.done $0x0  }
0x5e: {  	p2 =	seq.s32 s10, $0x1;
	[sflag:s19] =	ssyncadd.s32 $0xFFFFC000  }
0x5f: {  	[spmem:s2] =	stream.indirect.scatter.add.f32 [tilespmem:s16], [sflag:$0x4], $0x80, s20, s14, $0xb8;
	[tilespmem:$0x1C200] =	vst v63  }
.Ltmp8:
0x60: {  	_ =	swait.ge [sflag:s21], $0x4000;
	(pc) =	sbr.rel @p2 .LBB2_5-.Ltmp8, $4  }
0x61: {  	[sflag:s21] =	ssyncset.done $0x0  }
0x62: {  	[sflag:s21] =	ssyncadd.s32 $0xFFFFC000  }
0x63: {  	_ =	swait.ge [sflag:s22], $0x4000  }
0x64: {  	s24 =	sadd.s32 $0xFFFFFFFF, s10;
	s25 =	smov.u32 s11;
	[sflag:s22] =	ssyncset.done $0x0  }
.LBB2_4:
0x65: {  	p2 =	seq.s32 s24, $0x1;
	[sflag:s22] =	ssyncadd.s32 $0xFFFFC000;
	s25 =	sadd.s32 $0x40, s25  }
0x66: {  	[tilespmem:s3], [sflag:$0x5] =	stream.linear.gather [hbm4b:s25+s3], $0x200, $0x38;
	[tilespmem:$0x1C200] =	vst v63  }
0x67: {  	s24 =	sadd.s32 $0xFFFFFFFF, s24;
	_ =	swait.ge [sflag:s13], $0x200  }
0x68: {  	[sflag:s13] =	ssyncset.done $0x0  }
0x69: {  	[sflag:s13] =	ssyncadd.s32 $0xFFFFFE00  }
0x6a: {  	[tilespmem:s15], [sflag:$0x1] =	stream.indirect.gather [hbm4b:s4+s14], $0x80, s3, s14, $0xb8;
	[tilespmem:$0x1C200] =	vst v63  }
0x6b: {  	_ = 	snop  }
0x6c: {  	[tilespmem:s16], [sflag:$0x2] =	stream.indirect.gather [hbm4b:s4+s14], $0x80, s14, s14, $0xb8;
	[tilespmem:$0x1C200] =	vst v63  }
0x6d: {  	_ =	swait.ge [sflag:s17], $0x4000  }
0x6e: {  	[sflag:s17] =	ssyncset.done $0x0  }
0x6f: {  	[sflag:s17] =	ssyncadd.s32 $0xFFFFC000  }
0x70: {  	[spmem:s2] =	stream.indirect.scatter.add.f32 [tilespmem:s15], [sflag:$0x3], $0x80, s18, s14, $0xb8;
	[tilespmem:$0x1C200] =	vst v63  }
0x71: {  	_ =	swait.ge [sflag:s19], $0x4000  }
0x72: {  	[sflag:s19] =	ssyncset.done $0x0  }
0x73: {  	[sflag:s19] =	ssyncadd.s32 $0xFFFFC000  }
0x74: {  	[spmem:s2] =	stream.indirect.scatter.add.f32 [tilespmem:s16], [sflag:$0x4], $0x80, s20, s14, $0xb8;
	[tilespmem:$0x1C200] =	vst v63  }
.Ltmp9:
0x75: {  	_ =	swait.ge [sflag:s21], $0x4000;
	(pc) =	sbr.rel @!p2 .LBB2_4-.Ltmp9, $4  }
0x76: {  	[sflag:s21] =	ssyncset.done $0x0  }
0x77: {  	[sflag:s21] =	ssyncadd.s32 $0xFFFFC000  }
0x78: {  	_ =	swait.ge [sflag:s22], $0x4000  }
0x79: {  	[sflag:s22] =	ssyncset.done $0x0  }
.Ltmp10:
0x7a: {  	_ = 	snop;
	(pc) =	sbr.rel .LBB2_5-.Ltmp10, $1  }
0x7b: {  	_ =	sdelay $0x3  }
.LBB2_11:
0x7c: {  	_ =	sfence.sel $0x180000  }
0x7d: {  	[bflag:$0x0] =	sbarrier.arrive $0xFFFF  }
0x7e: {  	p0 =	sne.s32 s1, $0x0;
	_ =	strace $0x9000004A  }
0x7f: {  	s0 =	sadd.s32 @!p0 $0x100000, s0;
	[bflag:$0x2] =	sbarrier.arrive $0xFFFF  }
0x80: {  	[sflag:s0] =	ssyncadd.tile.s32 @!p0 $0x1;
	_ =	shalt  }
.Lfunc_end2:
_tile_overlayer_lowered:
.L_overlay_start_2:
0x81: {  	(tag) =	ssettag $0x2  }
0x82: {  	s0 =	rddreg [dreg:$0x0];
	s2 =	stileid.u32  }
0x83: {  	s1 =	rddreg [dreg:$0x1];
	p0 =	sne.s32 s2, $0x0  }
0x84: {  	s3 =	rddreg [dreg:$0x2];
	[bflag:$0x3] =	sbarrier.arrive $0xFFFF;
	s2 =	simm.s32 @!p0 $0x1C05  }
0x85: {  	[timem:s3], [sflag:s2] =	dma.local @!p0 [hbm:s0], s1  }
0x86: {  	s0 =	simm.s32 @!p0 $0x5  }
0x87: {  	_ =	swait.ge @!p0 [sflag:s0], s1  }
0x88: {  	s1 =	ssub.s32 @!p0 $0x0, s1;
	[sflag:s0] =	ssyncset.done @!p0 $0x0  }
0x89: {  	[sflag:s0] =	ssyncadd.s32 @!p0 s1  }
0x8a: {  	[bflag:$0x3] =	sbarrier.arrive $0xFFFF  }
0x8b: {  	_ =	shalt  }

// kernel: kernel.7.cloned.1.call-start
scs
__scs_entry_jumppad:
0x0: {  	(pc) =	sbr.rel $0x88, $3  }
0x1: {  	(tag) =	ssettag $0x0;
	lr =	simm.s32 $0x1  }
0x2: {  	[smem:$0x3F99] =	sst lr;
	_ =	strace $0xD0000000  }
0x3: {  	_ = 	snop  }
0x4: {  	_ = 	snop  }
0x5: {  	_ = 	snop  }
0x6: {  	_ = 	snop  }
0x7: {  	_ = 	snop  }
__scs_overlays_trampoline_lowered:
0x8: {  	[smem:$0x3FA8] =	sst s0  }
0x9: {  	[smem:$0x3FA9] =	sst s1  }
0xa: {  	[smem:$0x3FAA] =	sst s2  }
0xb: {  	[smem:$0x3FAB] =	sst s3  }
0xc: {  	[smem:$0x3FAC] =	sst s4  }
0xd: {  	[smem:$0x3FAD] =	sst s5  }
0xe: {  	[smem:$0x3FAE] =	sst s6  }
0xf: {  	[smem:$0x3FAF] =	sst s7  }
0x10: {  	[smem:$0x3FB0] =	sst s8  }
0x11: {  	[smem:$0x3FB1] =	sst s9;
	s0 =	simm.s32 @!p0 $0x0  }
0x12: {  	s1 =	sld [smem:$0x3F97];
	s0 =	simm.s32 @p0 $0x1  }
0x13: {  	[smem:$0x3FB2] =	sst s0;
	s0 =	simm.s32 @!p1 $0x0  }
0x14: {  	s2 =	sld [smem:$0x3F96];
	s0 =	simm.s32 @p1 $0x1  }
0x15: {  	[smem:$0x3FB3] =	sst s0;
	s0 =	simm.s32 @!p2 $0x0  }
0x16: {  	s3 =	sld [smem:$0x3FDB];
	s0 =	simm.s32 @p2 $0x1  }
0x17: {  	s4 =	simm.s32 $0x1BF5;
	[smem:$0x3FB5] =	sst s0  }
0x18: {  	s0 =	sld [smem:$0x3F98];
	_ =	swait.ge [sflag:s4], $0x0  }
0x19: {  	s7 =	sld [smem:$0x3F99]  }
0x1a: {  	s8 =	sadd.s32 $0xFFFFE003, lr  }
0x1b: {  	s9 =	sadd.s32 $0xFFFFFEF7, lr;
	s5 =	simm.s32 $0xFFFFFFFF;
	p2 =	slt.u32 s8, $0xFFFFF086  }
0x1c: {  	p1 =	slt.u32 s9, $0xF7A;
	s5 =	simm.s32 @!p2 $0x0  }
0x1d: {  	s5 =	simm.s32 @p1 $0x1;
	p0 =	seq.s32 s7, s2  }
0x1e: {  	s7 =	smul.u32 @!p0 $0xF7A, s2;
	p2 =	seq.s32 @!p0 s5, $0x0  }
0x1f: {  	s9 =	smul.u32 $0xF7A, s1;
	s8 =	simm.s32 @!p0 $0x1BF5;
	p2 =	por !p2, p0  }
0x20: {  	[sflag:s8] =	ssyncset.s32 @!p0 $0xFFFFF086;
	s6 =	sadd.s32 @!p0 s3, s7;
	s7 =	simm.s32 @!p0 $0x108  }
0x21: {  	s3 =	sadd.s32 s3, s9;
	s6 =	sadd.s32 @!p0 $0x88, s6;
	s7 =	simm.s32 @p2 $0x1082  }
0x22: {  	[simem:s7], [sflag:s8] =	dma.local @!p0 [hbm:s6], $0xF7A  }
0x23: {  	s9 =	sor.u32 $0xD0000000, s2;
	s6 =	simm.s32 $0x108;
	_ =	swait.ge @!p0 [sflag:s8], $0x0  }
0x24: {  	s3 =	sadd.s32 $0x88, s3;
	s6 =	simm.s32 @!p1 $0x1082;
	[sflag:s4] =	ssyncset.s32 $0xFFFFF086  }
0x25: {  	[simem:s6], [sflag:s4] =	dma.local [hbm:s3], $0xF7A  }
0x26: {  	[smem:$0x3F99] =	sst s1;
	(tag) =	ssettag s2;
	_ =	strace s9  }
0x27: {  	s1 =	sld [smem:$0x3FA9]  }
0x28: {  	s2 =	sld [smem:$0x3FAA]  }
0x29: {  	s4 =	sld [smem:$0x3FAC]  }
0x2a: {  	p0 =	seq.s32 s5, $0x0;
	s5 =	sld [smem:$0x3FAD]  }
0x2b: {  	s6 =	sld [smem:$0x3FAE]  }
0x2c: {  	s7 =	sld [smem:$0x3FAF]  }
0x2d: {  	s3 =	simm.s32 $0x108;
	s8 =	sld [smem:$0x3FB0]  }
0x2e: {  	s3 =	simm.s32 @!p0 $0x1082;
	s9 =	sld [smem:$0x3FB1]  }
0x2f: {  	lr =	sadd.s32 s0, s3;
	s0 =	sld [smem:$0x3FA8]  }
0x30: {  	s3 =	sld [smem:$0x3FAB]  }
0x31: {  	[smem:$0x3FB4] =	sst s10  }
0x32: {  	s10 =	sld [smem:$0x3FB2];
	_ =	sdelay $0x3  }
0x33: {  	p0 =	seq.s32 s10, $0x1;
	s10 =	sld [smem:$0x3FB4];
	_ =	sdelay $0x3  }
0x34: {  	[smem:$0x3FB4] =	sst s10  }
0x35: {  	s10 =	sld [smem:$0x3FB3];
	_ =	sdelay $0x3  }
0x36: {  	p1 =	seq.s32 s10, $0x1;
	s10 =	sld [smem:$0x3FB4];
	_ =	sdelay $0x3  }
0x37: {  	[smem:$0x3FB4] =	sst s10  }
0x38: {  	s10 =	sld [smem:$0x3FB5]  }
0x39: {  	_ = 	snop;
	(pc) =	sbr.ind lr, $3  }
0x3a: {  	_ = 	snop  }
0x3b: {  	_ = 	snop  }
0x3c: {  	p2 =	seq.s32 s10, $0x1;
	s10 =	sld [smem:$0x3FB4]  }
0x3d: {  	_ =	shalt  }
0x3e: {  	_ =	shalt  }
0x3f: {  	_ =	shalt  }
0x40: {  	_ =	shalt  }
0x41: {  	_ =	shalt  }
0x42: {  	_ =	shalt  }
0x43: {  	_ =	shalt  }
0x44: {  	_ =	shalt  }
0x45: {  	_ =	shalt  }
0x46: {  	_ =	shalt  }
0x47: {  	_ =	shalt  }
0x48: {  	_ =	shalt  }
0x49: {  	_ =	shalt  }
0x4a: {  	_ =	shalt  }
0x4b: {  	_ =	shalt  }
0x4c: {  	_ =	shalt  }
0x4d: {  	_ =	shalt  }
0x4e: {  	_ =	shalt  }
0x4f: {  	_ =	shalt  }
0x50: {  	_ =	shalt  }
0x51: {  	_ =	shalt  }
0x52: {  	_ =	shalt  }
0x53: {  	_ =	shalt  }
0x54: {  	_ =	shalt  }
0x55: {  	_ =	shalt  }
0x56: {  	_ =	shalt  }
0x57: {  	_ =	shalt  }
0x58: {  	_ =	shalt  }
0x59: {  	_ =	shalt  }
0x5a: {  	_ =	shalt  }
0x5b: {  	_ =	shalt  }
0x5c: {  	_ =	shalt  }
0x5d: {  	_ =	shalt  }
0x5e: {  	_ =	shalt  }
0x5f: {  	_ =	shalt  }
0x60: {  	_ =	shalt  }
0x61: {  	_ =	shalt  }
0x62: {  	_ =	shalt  }
0x63: {  	_ =	shalt  }
0x64: {  	_ =	shalt  }
0x65: {  	_ =	shalt  }
0x66: {  	_ =	shalt  }
0x67: {  	_ =	shalt  }
0x68: {  	_ =	shalt  }
0x69: {  	_ =	shalt  }
0x6a: {  	_ =	shalt  }
0x6b: {  	_ =	shalt  }
0x6c: {  	_ =	shalt  }
0x6d: {  	_ =	shalt  }
0x6e: {  	_ =	shalt  }
0x6f: {  	_ =	shalt  }
0x70: {  	_ =	shalt  }
0x71: {  	_ =	shalt  }
0x72: {  	_ =	shalt  }
0x73: {  	_ =	shalt  }
0x74: {  	_ =	shalt  }
0x75: {  	_ =	shalt  }
0x76: {  	_ =	shalt  }
0x77: {  	_ =	shalt  }
0x78: {  	_ =	shalt  }
0x79: {  	_ =	shalt  }
0x7a: {  	_ =	shalt  }
0x7b: {  	_ =	shalt  }
0x7c: {  	_ =	shalt  }
0x7d: {  	_ =	shalt  }
0x7e: {  	_ =	shalt  }
0x7f: {  	_ =	shalt  }
0x80: {  	_ =	shalt  }
0x81: {  	_ =	shalt  }
0x82: {  	_ =	shalt  }
0x83: {  	_ =	shalt  }
0x84: {  	_ =	shalt  }
0x85: {  	_ =	shalt  }
0x86: {  	_ =	shalt  }
0x87: {  	_ =	shalt  }
.Lfunc_end0:
.L_simem_size_0:
called_computation_lowered:
.L_overlay_start_0:
0x88: {  	s2 =	sld [smem:$0x3FD9]  }
0x89: {  	s3 =	sld [smem:$0x3FFE];
	_ =	sdelay $0x1  }
0x8a: {  	s1 =	srdreg.scid  }
0x8b: {  	s0 =	sand.u32 $0x1, s1  }
0x8c: {  	s17 =	sshll.u32 s0, $0xA;
	s2 =	sadd.s32 s3, s2  }
0x8d: {  	s2 =	sadd.s32 s2, s17  }
0x8e: {  	[smem:$0x3FC0] =	sst s2  }
0x8f: {  	_ = 	snop  }
0x90: {  	s2 =	sld [smem:$0x3FC9]  }
0x91: {  	s18 =	sld [smem:$0x3FD0];
	(tm) =	ssettm $0x1  }
0x92: {  	s4 =	sld [smem:$0x3FFB];
	_ =	sdelay $0x3  }
0x93: {  	_ =	strace s4  }
0x94: {  	s4 =	sld [smem:$0x3FFC];
	_ =	sdelay $0x3  }
0x95: {  	_ =	strace s4  }
0x96: {  	s4 =	sld [smem:$0x3FFD];
	_ =	sdelay $0x3  }
0x97: {  	_ =	strace s4  }
0x98: {  	_ =	strace $0x8FFFFFFF  }
0x99: {  	s19 =	sld [smem:$0x3FDB];
	_ =	sdelay $0x1  }
0x9a: {  	s5 =	simm.s32 $_scs_section_size  }
0x9b: {  	s6 =	simm.s32 $_size__tile_overlayer_lowered;
	s7 =	simm.s32 $_tile_overlayer_lowered  }
0x9c: {  	s22 =	simm.s32 $0x1BFF;
	s21 =	sshll.u32 s7, $0x1;
	s4 =	sadd.s32 s5, s19  }
0x9d: {  	s8 =	simm.s32 $0x0;
	s20 =	sshll.u32 s6, $0x1;
	s6 =	sadd.s32 s21, s4  }
0x9e: {  	[timem:s8], [sflag:s22] =	dma.local [hbm:s6], s20  }
0x9f: {  	_ =	swait.ge [sflag:s22], s20  }
0xa0: {  	s5 =	ssub.s32 $0x0, s20;
	[sflag:s22] =	ssyncset.done $0x0  }
0xa1: {  	[sflag:s22] =	ssyncadd.s32 s5;
	_ =	sdelay $0x1  }
0xa2: {  	s23 =	simm.s32 $0x1B8B  }
0xa3: {  	_ =	swait.ge [sflag:s23], $0x1  }
0xa4: {  	[sflag:s23] =	ssyncset.done $0x0  }
0xa5: {  	s25 =	simm.s32 $0x1B8E;
	s24 =	sld [smem:$0x3FFE];
	[sflag:s23] =	ssyncadd.s32 $0xFFFFFFFF  }
0xa6: {  	s26 =	simm.s32 $execute0_lowered;
	[smem:$0x3FD2] =	sst s25  }
0xa7: {  	s6 =	sshll.u32 s26, $0x1;
	_ =	strace $0x80000046;
	[dreg:$0x1] =	wrdreg $0xFFFFFFFF  }
0xa8: {  	s28 =	simm.s32 $_size_execute0_lowered;
	s4 =	sadd.s32 s4, s6;
	[dreg:$0x0] =	wrdreg $0x0  }
0xa9: {  	s6 =	sshll.u32 s28, $0x1;
	[dreg:$0x2] =	wrdreg s4  }
0xaa: {  	[dreg:$0x3] =	wrdreg s6  }
0xab: {  	[dreg:$0x4] =	wrdreg $0xC0  }
0xac: {  	_ =	task [dreg:s8], $0x5FFFF  }
0xad: {  	[dreg:$0x1] =	wrdreg $0xFFFFFFFF  }
0xae: {  	[dreg:$0x0] =	wrdreg $0x60  }
0xaf: {  	[dreg:$0x2] =	wrdreg s24  }
0xb0: {  	[dreg:$0x3] =	wrdreg s2  }
0xb1: {  	[dreg:$0x4] =	wrdreg s18  }
0xb2: {  	[dreg:$0x5] =	wrdreg $0xAA000  }
0xb3: {  	[dreg:$0x6] =	wrdreg $0x9  }
0xb4: {  	_ =	task.clear_ibuf [dreg:s8], $0x7FFFF;
	_ =	strace $0x90000046  }
0xb5: {  	s29 =	simm.s32 $0x9;
	_ =	strace $0x80000048  }
0xb6: {  	_ =	swait.ge [sflag:s29], $0x1  }
0xb7: {  	[sflag:s29] =	ssyncadd.s32 $0xFFFFFFFF  }
0xb8: {  	_ =	strace $0x90000048  }
0xb9: {  	_ =	sfence  }
0xba: {  	s30 =	sld [smem:$0x0];
	_ =	sdelay $0x2  }
0xbb: {  	s31 =	sshll.u32 s1, $0xD;
	s1 =	sshrl.u32 s1, $0x2  }
0xbc: {  	s3 =	sand.u32 $0x4000, s31;
	s1 =	sadd.s32 s1, s30  }
0xbd: {  	s0 =	sor.u32 s3, s0;
	s1 =	sshll.u32 s1, $0x11  }
0xbe: {  	s0 =	sor.u32 s1, s0  }
0xbf: {  	s0 =	sadd.s32 $0x8F2B, s0  }
0xc0: {  	[sflag:s0] =	ssyncadd.remote.s32 $0x1  }
0xc1: {  	_ =	sfence.sel $0xFFFF  }
0xc2: {  	[dreg:$0x0] =	wrdreg $0xFFFFFFFF;
	(pc) =	sbr.abs _section_cstart, $3  }
0xc3: {  	[dreg:$0x1] =	wrdreg $0xFFFFFFFF  }
0xc4: {  	_ =	task.clear_ibuf [dreg:s8], $0x2FFFF;
	_ =	strace $0x9FFFFFFF  }
0xc5: {  	(tm) =	ssettm $0x7FFFFFFF  }
tec
execute0_lowered:
.L_overlay_start_1:
0x0: {  	(tag) =	ssettag $0x1  }
0x1: {  	s6 =	rddreg [dreg:$0x0]  }
0x2: {  	s1 =	rddreg [dreg:$0x1]  }
0x3: {  	s7 =	rddreg [dreg:$0x2]  }
0x4: {  	s3 =	rddreg [dreg:$0x3]  }
0x5: {  	s0 =	srdreg.scid;
	s2 =	rddreg [dreg:$0x4]  }
0x6: {  	s4 =	simm.s32 $0x0;
	s17 =	simm.s32 $0x80;
	s8 =	sand.u32 $0x1, s0  }
0x7: {  	s18 =	simm.s32 $0x200;
	s0 =	stileid.u32;
	s5 =	smul.u32 $0x4E20, s8  }
0x8: {  	s19 =	simm.s32 $0x4200;
	s20 =	simm.s32 $0x1;
	s9 =	smul.u32 $0x4E2, s0  }
0x9: {  	s21 =	simm.s32 $0x100;
	s28 =	simm.s32 $0x0;
	s22 =	smul.u32 $0x14000, s0  }
0xa: {  	[smem:$0x7FF] =	sst s4;
	s10 =	smul.u32 $0x140000, s8;
	s11 =	sshll.u32 s8, $0x4  }
0xb: {  	_ =	strace $0x80000047;
	s14 =	sshll.u32 s0, $0x7;
	s8 =	ssub.s32 $0x2, s8  }
0xc: {  	s25 =	smul.u32 $0x50000, s0;
	s31 =	sshll.u32 s0, $0x6;
	s11 =	sor.u32 s0, s11  }
0xd: {  	s14 =	sand.u32 $0x380, s14;
	s15 =	sshrl.u32 s8, $0x1;
	s5 =	sadd.s32 s9, s5  }
0xe: {  	s23 =	sadd.s32 s22, s10;
	s24 =	sshrl.u32 s11, $0x3;
	s11 =	smul.u32 $0x4E2, s11  }
0xf: {  	s15 =	ssub.s32 s8, s15;
	s26 =	sshrl.u32 s25, $0x2;
	s29 =	sshrl.u32 s22, $0x3  }
0x10: {  	s22 =	simm.s32 $0x2;
	s25 =	simm.s32 $0x4;
	s5 =	sshll.u32 s5, $0x1  }
0x11: {  	s13 =	sshrl.u32 s23, $0x3;
	s10 =	smul.u32 $0x14000, s24;
	s16 =	sadd.s32 s26, s3  }
0x12: {  	s23 =	simm.s32 $0x180;
	s24 =	simm.s32 $0x3;
	s26 =	simm.s32 $0x400  }
0x13: {  	s5 =	sand.u32 $0x1FFC0, s5;
	s13 =	sadd.s32 s13, s6;
	s30 =	sadd.s32 $0x4E2, s11  }
0x14: {  	s16 =	sshrl.u32 s16, $0x3;
	s12 =	sadd.s32 s5, s6;
	s5 =	sadd.s32 $0x17400, s6  }
.Ltmp0:
0x15: {  	s10 =	sor.u32 s14, s10;
	s8 =	sshrl.u32 s30, $0x5;
	(pc) =	sbr.rel .LBB2_1-.Ltmp0, $4  }
0x16: {  	s9 =	sadd.s32 $0x21A00, s13;
	s13 =	simm.s32 $0x8200;
	s10 =	sshrl.u32 s10, $0x3  }
0x17: {  	s14 =	simm.s32 $0x5;
	s12 =	sadd.s32 $0x3A00, s12;
	s10 =	sadd.s32 s10, s6  }
0x18: {  	s6 =	sadd.s32 s7, s29;
	s7 =	sshrl.u32 s11, $0x5;
	s11 =	smax.u32 s15, $0x1  }
0x19: {  	v0 =	vimm.f32 $1.000000000e+00;
	s15 =	sor.u32 $0x1C05, s31;
	s10 =	sadd.s32 $0x17A00, s10;
	p0 =	sge.u32 s7, s8  }
.LBB2_3:
0x1a: {  	[bflag:$0x0] =	sbarrier.arrive $0xFFFF  }
0x1b: {  	[hbm:s9], [sflag:s15] =	dma.local [spmem:s16], $0x2800  }
0x1c: {  	s28 =	sadd.s32 $0x1, s28;
	_ =	swait.ge [sflag:s14], $0x2800  }
0x1d: {  	p1 =	sne.s32 s28, s11;
	[sflag:s14] =	ssyncset.done $0x0  }
.Ltmp1:
0x1e: {  	[sflag:s14] =	ssyncadd.s32 $0xFFFFD800;
	(pc) =	sbr.rel @!p1 .LBB2_4-.Ltmp1, $4  }
0x1f: {  	[hbm4b:s10+s17] =	stream.strided.scatter [tilespmem:s13], [sflag:$0x5], $0x2800, s26, s17, $0x38;
	[tilespmem:$0x1EA00] =	vst v63  }
0x20: {  	_ =	swait.ge [sflag:s14], $0x2800  }
0x21: {  	[sflag:s14] =	ssyncset.done $0x0  }
0x22: {  	[sflag:s14] =	ssyncadd.s32 $0xFFFFD800  }
.LBB2_1:
0x23: {  	[tilespmem:s13], [sflag:$0x5] =	stream.linear.gather [hbm4b:s5+s4], $0x2800, $0x38;
	[tilespmem:$0x1EA00] =	vst v63  }
0x24: {  	_ =	swait.ge [sflag:s14], $0x2800  }
0x25: {  	[sflag:s14] =	ssyncset.done $0x0  }
0x26: {  	[sflag:s14] =	ssyncadd.s32 $0xFFFFD800  }
0x27: {  	[spmem:s16], [sflag:s15] =	dma.local [hbm:s6], $0x2800  }
.Ltmp2:
0x28: {  	_ =	swait.ge [sflag:s14], $0x2800;
	(pc) =	sbr.rel @p0 .LBB2_3-.Ltmp2, $4  }
0x29: {  	[sflag:s14] =	ssyncset.done $0x0  }
0x2a: {  	[sflag:s14] =	ssyncadd.s32 $0xFFFFD800  }
0x2b: {  	[bflag:$0x0] =	sbarrier.arrive $0xFFFF  }
0x2c: {  	s29 =	smov.u32 s12;
	s30 =	smov.u32 s7  }
.LBB2_2:
0x2d: {  	[tilespmem:s4], [sflag:$0x5] =	stream.linear.gather [hbm4b:s29+s4], $0x200, $0x38;
	[tilespmem:$0x1EA00] =	vst v63  }
0x2e: {  	_ =	swait.ge [sflag:s14], $0x200  }
0x2f: {  	[sflag:s14] =	ssyncset.done $0x0  }
0x30: {  	[sflag:s14] =	ssyncadd.s32 $0xFFFFFE00  }
0x31: {  	[tilespmem:s18], [sflag:$0x1] =	stream.indirect.gather [hbm4b:s1+s17], $0x80, s4, s17, $0xb8;
	[tilespmem:$0x1EA00] =	vst v63  }
0x32: {  	_ = 	snop  }
0x33: {  	[tilespmem:s19], [sflag:$0x2] =	stream.indirect.gather [hbm4b:s1+s17], $0x80, s17, s17, $0xb8;
	[tilespmem:$0x1EA00] =	vst v63  }
0x34: {  	_ =	swait.ge [sflag:s20], $0x4000  }
0x35: {  	[sflag:s20] =	ssyncset.done $0x0  }
0x36: {  	[sflag:s20] =	ssyncadd.s32 $0xFFFFC000  }
0x37: {  	[spmem:s3] =	stream.indirect.scatter.add.f32 [tilespmem:s18], [sflag:$0x3], $0x80, s21, s17, $0xb8;
	[tilespmem:$0x1EA00] =	vst v63  }
0x38: {  	_ =	swait.ge [sflag:s22], $0x4000  }
0x39: {  	[sflag:s22] =	ssyncset.done $0x0  }
0x3a: {  	[sflag:s22] =	ssyncadd.s32 $0xFFFFC000  }
0x3b: {  	[spmem:s3] =	stream.indirect.scatter.add.f32 [tilespmem:s19], [sflag:$0x4], $0x80, s23, s17, $0xb8;
	[tilespmem:$0x1EA00] =	vst v63  }
0x3c: {  	v1 =	vld [tilespmem:$0x100];
	_ =	sdelay $0x7  }
0x3d: {  	[tilespmem:v1+s13+$0x0] =	vst.idx.add.f32.msk $0xffff, v0  }
0x3e: {  	v1 =	vld [tilespmem:$0x110];
	_ =	sdelay $0x7  }
0x3f: {  	[tilespmem:v1+s13+$0x0] =	vst.idx.add.f32.msk $0xffff, v0  }
0x40: {  	v1 =	vld [tilespmem:$0x120];
	_ =	sdelay $0x7  }
0x41: {  	[tilespmem:v1+s13+$0x0] =	vst.idx.add.f32.msk $0xffff, v0  }
0x42: {  	v1 =	vld [tilespmem:$0x130];
	_ =	sdelay $0x7  }
0x43: {  	[tilespmem:v1+s13+$0x0] =	vst.idx.add.f32.msk $0xffff, v0  }
0x44: {  	v1 =	vld [tilespmem:$0x140];
	_ =	sdelay $0x7  }
0x45: {  	[tilespmem:v1+s13+$0x0] =	vst.idx.add.f32.msk $0xffff, v0  }
0x46: {  	v1 =	vld [tilespmem:$0x150];
	_ =	sdelay $0x7  }
0x47: {  	[tilespmem:v1+s13+$0x0] =	vst.idx.add.f32.msk $0xffff, v0  }
0x48: {  	v1 =	vld [tilespmem:$0x160];
	_ =	sdelay $0x7  }
0x49: {  	[tilespmem:v1+s13+$0x0] =	vst.idx.add.f32.msk $0xffff, v0  }
0x4a: {  	v1 =	vld [tilespmem:$0x170];
	_ =	sdelay $0x7  }
0x4b: {  	[tilespmem:v1+s13+$0x0] =	vst.idx.add.f32.msk $0xffff, v0  }
0x4c: {  	v1 =	vld [tilespmem:$0x180];
	_ =	sdelay $0x7  }
0x4d: {  	[tilespmem:v1+s13+$0x0] =	vst.idx.add.f32.msk $0xffff, v0  }
0x4e: {  	v1 =	vld [tilespmem:$0x190];
	_ =	sdelay $0x7  }
0x4f: {  	[tilespmem:v1+s13+$0x0] =	vst.idx.add.f32.msk $0xffff, v0  }
0x50: {  	v1 =	vld [tilespmem:$0x1A0];
	_ =	sdelay $0x7  }
0x51: {  	[tilespmem:v1+s13+$0x0] =	vst.idx.add.f32.msk $0xffff, v0  }
0x52: {  	v1 =	vld [tilespmem:$0x1B0];
	_ =	sdelay $0x7  }
0x53: {  	[tilespmem:v1+s13+$0x0] =	vst.idx.add.f32.msk $0xffff, v0  }
0x54: {  	v1 =	vld [tilespmem:$0x1C0];
	_ =	sdelay $0x7  }
0x55: {  	[tilespmem:v1+s13+$0x0] =	vst.idx.add.f32.msk $0xffff, v0  }
0x56: {  	v1 =	vld [tilespmem:$0x1D0];
	_ =	sdelay $0x7  }
0x57: {  	[tilespmem:v1+s13+$0x0] =	vst.idx.add.f32.msk $0xffff, v0  }
0x58: {  	v1 =	vld [tilespmem:$0x1E0];
	_ =	sdelay $0x7  }
0x59: {  	[tilespmem:v1+s13+$0x0] =	vst.idx.add.f32.msk $0xffff, v0  }
0x5a: {  	v1 =	vld [tilespmem:$0x1F0];
	_ =	sdelay $0x7  }
0x5b: {  	s30 =	sadd.s32 $0x1, s30;
	[tilespmem:v1+s13+$0x0] =	vst.idx.add.f32.msk $0xffff, v0  }
0x5c: {  	p1 =	slt.u32 s30, s8;
	_ =	swait.ge [sflag:s24], $0x4000  }
.Ltmp3:
0x5d: {  	[sflag:s24] =	ssyncset.done $0x0;
	(pc) =	sbr.rel @p1 .LBB2_2-.Ltmp3, $4  }
0x5e: {  	[sflag:s24] =	ssyncadd.s32 $0xFFFFC000  }
0x5f: {  	_ =	swait.ge [sflag:s25], $0x4000  }
0x60: {  	[sflag:s25] =	ssyncset.done $0x0  }
0x61: {  	s29 =	sadd.s32 $0x40, s29;
	[sflag:s25] =	ssyncadd.s32 $0xFFFFC000  }
.Ltmp4:
0x62: {  	_ = 	snop;
	(pc) =	sbr.rel .LBB2_3-.Ltmp4, $1  }
0x63: {  	_ =	sdelay $0x3  }
.LBB2_4:
0x64: {  	_ =	sfence.sel $0x180000  }
0x65: {  	[bflag:$0x0] =	sbarrier.arrive $0xFFFF  }
0x66: {  	p0 =	sne.s32 s0, $0x0;
	_ =	strace $0x90000047  }
0x67: {  	s0 =	sadd.s32 @!p0 $0x100000, s2;
	[bflag:$0x2] =	sbarrier.arrive $0xFFFF  }
0x68: {  	[sflag:s0] =	ssyncadd.tile.s32 @!p0 $0x1;
	_ =	shalt  }
.Lfunc_end2:
_tile_overlayer_lowered:
.L_overlay_start_2:
0x69: {  	(tag) =	ssettag $0x2  }
0x6a: {  	s0 =	rddreg [dreg:$0x0];
	s2 =	stileid.u32  }
0x6b: {  	s1 =	rddreg [dreg:$0x1];
	p0 =	sne.s32 s2, $0x0  }
0x6c: {  	s3 =	rddreg [dreg:$0x2];
	[bflag:$0x3] =	sbarrier.arrive $0xFFFF;
	s2 =	simm.s32 @!p0 $0x1C05  }
0x6d: {  	[timem:s3], [sflag:s2] =	dma.local @!p0 [hbm:s0], s1  }
0x6e: {  	s0 =	simm.s32 @!p0 $0x5  }
0x6f: {  	_ =	swait.ge @!p0 [sflag:s0], s1  }
0x70: {  	s1 =	ssub.s32 @!p0 $0x0, s1;
	[sflag:s0] =	ssyncset.done @!p0 $0x0  }
0x71: {  	[sflag:s0] =	ssyncadd.s32 @!p0 s1  }
0x72: {  	[bflag:$0x3] =	sbarrier.arrive $0xFFFF  }
0x73: {  	_ =	shalt  }

</sc_bundles>
